<compile_context>
chip_gen: v7x
topology: tpu7x:2x2x1
jax: 0.10.2.dev20260603
libtpu: 0.0.44.dev20260713+nightly
codegen_flags: <defaults>
</compile_context>

<pallas_src>
import functools

import jax
import jax.numpy as jnp
from jax import lax
from jax.experimental import pallas as pl
from jax.experimental.pallas import tpu as pltpu
from jax.experimental.pallas import tpu_sc as plsc

_B = 16384
_D = 32
_F = 128
_H1 = 256
_H2 = 128
_NC, _NS = 2, 16
_NW = _NC * _NS
_BPW = _B // _NW
_CH = 128
_NCHUNK = _BPW // _CH

_BLK = 2048



@functools.lru_cache(maxsize=None)
def _sc_gather_kernel():
    @functools.partial(
        pl.kernel,
        mesh=plsc.VectorSubcoreMesh(core_axis_name="c", subcore_axis_name="s"),
        out_type=[
            jax.ShapeDtypeStruct((_B, _F), jnp.float32),
            jax.ShapeDtypeStruct((_B, _F), jnp.float32),
        ],
        scratch_types=[
            pltpu.VMEM((_BPW,), jnp.int32),
            pltpu.VMEM((_BPW,), jnp.int32),
            pltpu.VMEM((2, _CH, _F), jnp.float32),
            pltpu.VMEM((2, _CH, _F), jnp.float32),
            pltpu.SemaphoreType.DMA,
            pltpu.SemaphoreType.DMA,
        ],
    )
    def _sc_gather(user_emb_hbm, uid_hbm, item_emb_hbm, iid_hbm, out_u, out_i,
                   uidx_v, iidx_v, ubuf, ibuf, usem, isem):
        wid = lax.axis_index("s") * _NC + lax.axis_index("c")
        base = wid * _BPW
        pltpu.sync_copy(uid_hbm.at[pl.ds(base, _BPW)], uidx_v)
        pltpu.sync_copy(iid_hbm.at[pl.ds(base, _BPW)], iidx_v)
        cps = []
        for c in range(_NCHUNK):
            sl = pl.ds(c * _CH, _CH)
            cps.append((
                pltpu.async_copy(user_emb_hbm.at[uidx_v.at[sl]],
                                 ubuf.at[c % 2], usem),
                pltpu.async_copy(item_emb_hbm.at[iidx_v.at[sl]],
                                 ibuf.at[c % 2], isem)))
            if c >= 1:
                ucp, icp = cps[c - 1]
                ucp.wait()
                icp.wait()
                osl = pl.ds(base + (c - 1) * _CH, _CH)
                pltpu.sync_copy(ubuf.at[(c - 1) % 2], out_u.at[osl])
                pltpu.sync_copy(ibuf.at[(c - 1) % 2], out_i.at[osl])
        ucp, icp = cps[_NCHUNK - 1]
        ucp.wait()
        icp.wait()
        osl = pl.ds(base + (_NCHUNK - 1) * _CH, _CH)
        pltpu.sync_copy(ubuf.at[(_NCHUNK - 1) % 2], out_u.at[osl])
        pltpu.sync_copy(ibuf.at[(_NCHUNK - 1) % 2], out_i.at[osl])

    return _sc_gather



def _mlp_body(ul_ref, il_ref, usub_ref, isub_ref, uf_ref, if_ref,
              W_uf_ref, b_uf_ref, W_if_ref, b_if_ref,
              W1_ref, b1_ref, W2_ref, b2_ref, w3t_ref, b3_ref, out_ref):
    def select_subrow(lines, sub):
        acc = jnp.zeros((lines.shape[0], _D), jnp.float32)
        for k in range(4):
            m = (sub == k).astype(jnp.float32)
            acc = acc + m * lines[:, k * _D:(k + 1) * _D]
        return acc

    ue = select_subrow(ul_ref[...], usub_ref[...])
    ie = select_subrow(il_ref[...], isub_ref[...])
    ufe = jnp.dot(uf_ref[...], W_uf_ref[...],
                  preferred_element_type=jnp.float32) + b_uf_ref[...]
    ife = jnp.dot(if_ref[...], W_if_ref[...],
                  preferred_element_type=jnp.float32) + b_if_ref[...]
    x = jnp.concatenate([ue, ufe, ie, ife], axis=1)
    h1 = jnp.maximum(
        jnp.dot(x, W1_ref[...], preferred_element_type=jnp.float32)
        + b1_ref[...], 0.0)
    h2 = jnp.maximum(
        jnp.dot(h1, W2_ref[...], preferred_element_type=jnp.float32)
        + b2_ref[...], 0.0)
    out_ref[...] = (jnp.sum(h2 * w3t_ref[...], axis=1, keepdims=True)
                    + b3_ref[...])


def _tc_mlp(ul, il, usub, isub, uf, if_,
            W_uf, b_uf, W_if, b_if, W1, b1, W2, b2, w3t, b3):
    grid = (_B // _BLK,)
    row_spec = lambda cols: pl.BlockSpec((_BLK, cols), lambda i: (i, 0))
    full_spec = lambda r, c: pl.BlockSpec((r, c), lambda i: (0, 0))
    return pl.pallas_call(
        _mlp_body,
        grid=grid,
        in_specs=[
            row_spec(_F), row_spec(_F), row_spec(1), row_spec(1),
            row_spec(_F), row_spec(_F),
            full_spec(_F, _D), full_spec(1, _D),
            full_spec(_F, _D), full_spec(1, _D),
            full_spec(4 * _D, _H1), full_spec(1, _H1),
            full_spec(_H1, _H2), full_spec(1, _H2),
            full_spec(1, _H2), full_spec(1, 1),
        ],
        out_specs=pl.BlockSpec((_BLK, 1), lambda i: (i, 0)),
        out_shape=jax.ShapeDtypeStruct((_B, 1), jnp.float32),
    )(ul, il, usub, isub, uf, if_,
      W_uf, b_uf, W_if, b_if, W1, b1, W2, b2, w3t, b3)


def kernel(user_ids, item_ids, user_features, item_features, user_emb,
           item_emb, W_uf, b_uf, W_if, b_if, W1, b1, W2, b2, W3, b3):
    uid = user_ids.astype(jnp.int32)
    iid = item_ids.astype(jnp.int32)
    user_lines, item_lines = _sc_gather_kernel()(
        user_emb.reshape(-1, _F), uid >> 2, item_emb.reshape(-1, _F),
        iid >> 2)
    out = _tc_mlp(
        user_lines, item_lines,
        (uid & 3).reshape(_B, 1), (iid & 3).reshape(_B, 1),
        user_features, item_features,
        W_uf, b_uf.reshape(1, _D), W_if, b_if.reshape(1, _D),
        W1, b1.reshape(1, _H1), W2, b2.reshape(1, _H2),
        W3.reshape(1, _H2), b3.reshape(1, 1))
    return out.reshape(_B)

# --- scband reference (transcript-rebuilt; emitter-appended) ---
"""Pipeline reference for scband-dnnrecommender-with-features-86560770883627 (READ-ONLY COPY).

The authoritative reference and input builder live on the scoring server;
editing this copy changes nothing except your own understanding.
"""

import jax, jax.numpy as jnp
import numpy as np

NUM_USERS = 1000000
NUM_ITEMS = 1000000
NUM_USER_FEATURES = 128
NUM_ITEM_FEATURES = 128
EMBED_DIM = 32
HIDDEN_DIM = 256
BATCH = 16384


def setup_inputs(seed: int = 0) -> dict:
    key = jax.random.key(seed)
    ks = jax.random.split(key, 20)
    user_ids = jax.random.randint(ks[0], (BATCH,), 0, NUM_USERS, dtype=jnp.int64 if jax.config.jax_enable_x64 else jnp.int32)
    item_ids = jax.random.randint(ks[1], (BATCH,), 0, NUM_ITEMS, dtype=jnp.int64 if jax.config.jax_enable_x64 else jnp.int32)
    user_features = jax.random.normal(ks[2], (BATCH, NUM_USER_FEATURES), dtype=jnp.float32)
    item_features = jax.random.normal(ks[3], (BATCH, NUM_ITEM_FEATURES), dtype=jnp.float32)
    user_emb = jax.random.normal(ks[4], (NUM_USERS, EMBED_DIM), dtype=jnp.float32) * 0.05
    item_emb = jax.random.normal(ks[5], (NUM_ITEMS, EMBED_DIM), dtype=jnp.float32) * 0.05
    W_uf = jax.random.normal(ks[6], (NUM_USER_FEATURES, EMBED_DIM), dtype=jnp.float32) * (1.0 / np.sqrt(NUM_USER_FEATURES))
    b_uf = jnp.zeros((EMBED_DIM,), dtype=jnp.float32)
    W_if = jax.random.normal(ks[7], (NUM_ITEM_FEATURES, EMBED_DIM), dtype=jnp.float32) * (1.0 / np.sqrt(NUM_ITEM_FEATURES))
    b_if = jnp.zeros((EMBED_DIM,), dtype=jnp.float32)
    in1 = EMBED_DIM * 2 * 2
    W1 = jax.random.normal(ks[8], (in1, HIDDEN_DIM), dtype=jnp.float32) * (1.0 / np.sqrt(in1))
    b1 = jnp.zeros((HIDDEN_DIM,), dtype=jnp.float32)
    W2 = jax.random.normal(ks[9], (HIDDEN_DIM, HIDDEN_DIM // 2), dtype=jnp.float32) * (1.0 / np.sqrt(HIDDEN_DIM))
    b2 = jnp.zeros((HIDDEN_DIM // 2,), dtype=jnp.float32)
    W3 = jax.random.normal(ks[10], (HIDDEN_DIM // 2, 1), dtype=jnp.float32) * (1.0 / np.sqrt(HIDDEN_DIM // 2))
    b3 = jnp.zeros((1,), dtype=jnp.float32)
    return {
        "user_ids": user_ids, "item_ids": item_ids,
        "user_features": user_features, "item_features": item_features,
        "user_emb": user_emb, "item_emb": item_emb,
        "W_uf": W_uf, "b_uf": b_uf, "W_if": W_if, "b_if": b_if,
        "W1": W1, "b1": b1, "W2": W2, "b2": b2, "W3": W3, "b3": b3,
    }


def reference(user_ids, item_ids, user_features, item_features,
              user_emb, item_emb, W_uf, b_uf, W_if, b_if,
              W1, b1, W2, b2, W3, b3):
    user_embeds = jnp.take(user_emb, user_ids, axis=0)
    item_embeds = jnp.take(item_emb, item_ids, axis=0)
    user_feature_embeds = user_features @ W_uf + b_uf
    item_feature_embeds = item_features @ W_if + b_if
    user_combined = jnp.concatenate([user_embeds, user_feature_embeds], axis=1)
    item_combined = jnp.concatenate([item_embeds, item_feature_embeds], axis=1)
    x = jnp.concatenate([user_combined, item_combined], axis=1)
    x = jax.nn.relu(x @ W1 + b1)
    x = jax.nn.relu(x @ W2 + b2)
    x = x @ W3 + b3
    return jnp.squeeze(x, axis=-1)

if __name__ == "__main__":
    import jax
    _d = setup_inputs()
    print(jax.jit(kernel)(*tuple(_d.values())))

</pallas_src>

<mosaic_0001>
#map = affine_map<(d0, d1) -> (0, 0)>
#map1 = affine_map<(d0, d1) -> (0)>
module attributes {stable_mosaic.version = 14 : i64} {
  func.func @_sc_gather(%arg0: i32, %arg1: i32, %arg2: memref<250000x128xf32, #tpu.memory_space<hbm>>, %arg3: memref<16384xi32, #tpu.memory_space<hbm>>, %arg4: memref<250000x128xf32, #tpu.memory_space<hbm>>, %arg5: memref<16384xi32, #tpu.memory_space<hbm>>, %arg6: memref<16384x128xf32, #tpu.memory_space<hbm>>, %arg7: memref<16384x128xf32, #tpu.memory_space<hbm>>, %arg8: memref<512xi32, #tpu.memory_space<vmem>>, %arg9: memref<512xi32, #tpu.memory_space<vmem>>, %arg10: memref<2x128x128xf32, #tpu.memory_space<vmem>>, %arg11: memref<2x128x128xf32, #tpu.memory_space<vmem>>, %arg12: memref<!tpu.dma_semaphore, #tpu.memory_space<semaphore_mem>>, %arg13: memref<!tpu.dma_semaphore, #tpu.memory_space<semaphore_mem>>) attributes {dimension_semantics = [#tpu.dimension_semantics<core_parallel>, #tpu.dimension_semantics<subcore_parallel>], iteration_bounds = array<i64: 2, 16>, scalar_prefetch = 0 : i64, scratch_operands = 6 : i64, tpu.core_type = #tpu.core_type<sc_vector_subcore>, window_params = [{transform_indices = #map}, {transform_indices = #map1}, {transform_indices = #map}, {transform_indices = #map1}, {transform_indices = #map}, {transform_indices = #map}]} {
    %mul3A = arith.constant 2 : i32
    %mul3A_0 = arith.muli %arg1, %mul3A : i32
    %add3A = arith.addi %mul3A_0, %arg0 : i32
    %mul3A_1 = arith.constant 512 : i32
    %mul3A_2 = arith.muli %add3A, %mul3A_1 : i32
    "tpu.region"() ({
      %run_scoped3A_176 = tpu.sem_alloc : memref<!tpu.dma_semaphore, #tpu.memory_space<semaphore_mem>>
      %dma_start3A_177 = tpu.memref_slice %arg3[%mul3A_2] : memref<16384xi32, #tpu.memory_space<hbm>> -> memref<512xi32, #tpu.memory_space<hbm>>
      %dma_start3A_178 = tpu.memref_slice %arg3[%mul3A_2] : memref<16384xi32, #tpu.memory_space<hbm>> -> memref<512xi32, #tpu.memory_space<hbm>>
      tpu.enqueue_dma source(%dma_start3A_178 : memref<512xi32, #tpu.memory_space<hbm>>) target(%arg8 : memref<512xi32, #tpu.memory_space<vmem>>) target_semaphore(%run_scoped3A_176 : memref<!tpu.dma_semaphore, #tpu.memory_space<semaphore_mem>>)
      %dma_wait3A_179 = tpu.memref_slice %arg3[%mul3A_2] : memref<16384xi32, #tpu.memory_space<hbm>> -> memref<512xi32, #tpu.memory_space<hbm>>
      %dma_wait3A_180 = tpu.memref_slice %arg3[%mul3A_2] : memref<16384xi32, #tpu.memory_space<hbm>> -> memref<512xi32, #tpu.memory_space<hbm>>
      tpu.wait_dma2 semaphore(%run_scoped3A_176 : memref<!tpu.dma_semaphore, #tpu.memory_space<semaphore_mem>>) src(%dma_wait3A_180 : memref<512xi32, #tpu.memory_space<hbm>>) dst(%arg8 : memref<512xi32, #tpu.memory_space<vmem>>)
      tpu.yield
    }) : () -> ()
    "tpu.region"() ({
      %run_scoped3A_176 = tpu.sem_alloc : memref<!tpu.dma_semaphore, #tpu.memory_space<semaphore_mem>>
      %dma_start3A_177 = tpu.memref_slice %arg5[%mul3A_2] : memref<16384xi32, #tpu.memory_space<hbm>> -> memref<512xi32, #tpu.memory_space<hbm>>
      %dma_start3A_178 = tpu.memref_slice %arg5[%mul3A_2] : memref<16384xi32, #tpu.memory_space<hbm>> -> memref<512xi32, #tpu.memory_space<hbm>>
      tpu.enqueue_dma source(%dma_start3A_178 : memref<512xi32, #tpu.memory_space<hbm>>) target(%arg9 : memref<512xi32, #tpu.memory_space<vmem>>) target_semaphore(%run_scoped3A_176 : memref<!tpu.dma_semaphore, #tpu.memory_space<semaphore_mem>>)
      %dma_wait3A_179 = tpu.memref_slice %arg5[%mul3A_2] : memref<16384xi32, #tpu.memory_space<hbm>> -> memref<512xi32, #tpu.memory_space<hbm>>
      %dma_wait3A_180 = tpu.memref_slice %arg5[%mul3A_2] : memref<16384xi32, #tpu.memory_space<hbm>> -> memref<512xi32, #tpu.memory_space<hbm>>
      tpu.wait_dma2 semaphore(%run_scoped3A_176 : memref<!tpu.dma_semaphore, #tpu.memory_space<semaphore_mem>>) src(%dma_wait3A_180 : memref<512xi32, #tpu.memory_space<hbm>>) dst(%arg9 : memref<512xi32, #tpu.memory_space<vmem>>)
      tpu.yield
    }) : () -> ()
    %dma_start3A = arith.constant 0 : i32
    %dma_start3A_3 = arith.constant 0 : i32
    %dma_start3A_4 = arith.constant 0 : i32
    %dma_start3A_5 = tpu.memref_slice %arg10[%dma_start3A, %dma_start3A_3, %dma_start3A_4] : memref<2x128x128xf32, #tpu.memory_space<vmem>> -> memref<1x128x128xf32, #tpu.memory_space<vmem>>
    %dma_start3A_6 = tpu.memref_squeeze %dma_start3A_5 : memref<1x128x128xf32, #tpu.memory_space<vmem>> -> memref<128x128xf32, #tpu.memory_space<vmem>>
    %dma_start3A_7 = arith.constant 0 : i32
    %dma_start3A_8 = tpu.memref_slice %arg8[%dma_start3A_7] : memref<512xi32, #tpu.memory_space<vmem>> -> memref<128xi32, #tpu.memory_space<vmem>>
    %dma_start3A_9 = arith.constant 0 : i32
    %dma_start3A_10 = arith.constant 0 : i32
    %dma_start3A_11 = tpu.memref_slice %arg2[%dma_start3A_9, %dma_start3A_10] : memref<250000x128xf32, #tpu.memory_space<hbm>> -> memref<250000x128xf32, #tpu.memory_space<hbm>>
    tpu.enqueue_indirect_dma source(%dma_start3A_11 : memref<250000x128xf32, #tpu.memory_space<hbm>>) target(%dma_start3A_6 : memref<128x128xf32, #tpu.memory_space<vmem>>) offsets(%dma_start3A_8 : memref<128xi32, #tpu.memory_space<vmem>>) semaphore(%arg12 : memref<!tpu.dma_semaphore, #tpu.memory_space<semaphore_mem>>)
    %dma_start3A_12 = arith.constant 0 : i32
    %dma_start3A_13 = arith.constant 0 : i32
    %dma_start3A_14 = arith.constant 0 : i32
    %dma_start3A_15 = tpu.memref_slice %arg11[%dma_start3A_12, %dma_start3A_13, %dma_start3A_14] : memref<2x128x128xf32, #tpu.memory_space<vmem>> -> memref<1x128x128xf32, #tpu.memory_space<vmem>>
    %dma_start3A_16 = tpu.memref_squeeze %dma_start3A_15 : memref<1x128x128xf32, #tpu.memory_space<vmem>> -> memref<128x128xf32, #tpu.memory_space<vmem>>
    %dma_start3A_17 = arith.constant 0 : i32
    %dma_start3A_18 = tpu.memref_slice %arg9[%dma_start3A_17] : memref<512xi32, #tpu.memory_space<vmem>> -> memref<128xi32, #tpu.memory_space<vmem>>
    %dma_start3A_19 = arith.constant 0 : i32
    %dma_start3A_20 = arith.constant 0 : i32
    %dma_start3A_21 = tpu.memref_slice %arg4[%dma_start3A_19, %dma_start3A_20] : memref<250000x128xf32, #tpu.memory_space<hbm>> -> memref<250000x128xf32, #tpu.memory_space<hbm>>
    tpu.enqueue_indirect_dma source(%dma_start3A_21 : memref<250000x128xf32, #tpu.memory_space<hbm>>) target(%dma_start3A_16 : memref<128x128xf32, #tpu.memory_space<vmem>>) offsets(%dma_start3A_18 : memref<128xi32, #tpu.memory_space<vmem>>) semaphore(%arg13 : memref<!tpu.dma_semaphore, #tpu.memory_space<semaphore_mem>>)
    %dma_start3A_22 = arith.constant 1 : i32
    %dma_start3A_23 = arith.constant 0 : i32
    %dma_start3A_24 = arith.constant 0 : i32
    %dma_start3A_25 = tpu.memref_slice %arg10[%dma_start3A_22, %dma_start3A_23, %dma_start3A_24] : memref<2x128x128xf32, #tpu.memory_space<vmem>> -> memref<1x128x128xf32, #tpu.memory_space<vmem>>
    %dma_start3A_26 = tpu.memref_squeeze %dma_start3A_25 : memref<1x128x128xf32, #tpu.memory_space<vmem>> -> memref<128x128xf32, #tpu.memory_space<vmem>>
    %dma_start3A_27 = arith.constant 128 : i32
    %dma_start3A_28 = tpu.memref_slice %arg8[%dma_start3A_27] : memref<512xi32, #tpu.memory_space<vmem>> -> memref<128xi32, #tpu.memory_space<vmem>>
    %dma_start3A_29 = arith.constant 0 : i32
    %dma_start3A_30 = arith.constant 0 : i32
    %dma_start3A_31 = tpu.memref_slice %arg2[%dma_start3A_29, %dma_start3A_30] : memref<250000x128xf32, #tpu.memory_space<hbm>> -> memref<250000x128xf32, #tpu.memory_space<hbm>>
    tpu.enqueue_indirect_dma source(%dma_start3A_31 : memref<250000x128xf32, #tpu.memory_space<hbm>>) target(%dma_start3A_26 : memref<128x128xf32, #tpu.memory_space<vmem>>) offsets(%dma_start3A_28 : memref<128xi32, #tpu.memory_space<vmem>>) semaphore(%arg12 : memref<!tpu.dma_semaphore, #tpu.memory_space<semaphore_mem>>)
    %dma_start3A_32 = arith.constant 1 : i32
    %dma_start3A_33 = arith.constant 0 : i32
    %dma_start3A_34 = arith.constant 0 : i32
    %dma_start3A_35 = tpu.memref_slice %arg11[%dma_start3A_32, %dma_start3A_33, %dma_start3A_34] : memref<2x128x128xf32, #tpu.memory_space<vmem>> -> memref<1x128x128xf32, #tpu.memory_space<vmem>>
    %dma_start3A_36 = tpu.memref_squeeze %dma_start3A_35 : memref<1x128x128xf32, #tpu.memory_space<vmem>> -> memref<128x128xf32, #tpu.memory_space<vmem>>
    %dma_start3A_37 = arith.constant 128 : i32
    %dma_start3A_38 = tpu.memref_slice %arg9[%dma_start3A_37] : memref<512xi32, #tpu.memory_space<vmem>> -> memref<128xi32, #tpu.memory_space<vmem>>
    %dma_start3A_39 = arith.constant 0 : i32
    %dma_start3A_40 = arith.constant 0 : i32
    %dma_start3A_41 = tpu.memref_slice %arg4[%dma_start3A_39, %dma_start3A_40] : memref<250000x128xf32, #tpu.memory_space<hbm>> -> memref<250000x128xf32, #tpu.memory_space<hbm>>
    tpu.enqueue_indirect_dma source(%dma_start3A_41 : memref<250000x128xf32, #tpu.memory_space<hbm>>) target(%dma_start3A_36 : memref<128x128xf32, #tpu.memory_space<vmem>>) offsets(%dma_start3A_38 : memref<128xi32, #tpu.memory_space<vmem>>) semaphore(%arg13 : memref<!tpu.dma_semaphore, #tpu.memory_space<semaphore_mem>>)
    %dma_wait3A = arith.constant 0 : i32
    %dma_wait3A_42 = arith.constant 0 : i32
    %dma_wait3A_43 = arith.constant 0 : i32
    %dma_wait3A_44 = tpu.memref_slice %arg10[%dma_wait3A, %dma_wait3A_42, %dma_wait3A_43] : memref<2x128x128xf32, #tpu.memory_space<vmem>> -> memref<1x128x128xf32, #tpu.memory_space<vmem>>
    %dma_wait3A_45 = tpu.memref_squeeze %dma_wait3A_44 : memref<1x128x128xf32, #tpu.memory_space<vmem>> -> memref<128x128xf32, #tpu.memory_space<vmem>>
    %dma_wait3A_46 = arith.constant 0 : i32
    %dma_wait3A_47 = tpu.memref_slice %arg8[%dma_wait3A_46] : memref<512xi32, #tpu.memory_space<vmem>> -> memref<128xi32, #tpu.memory_space<vmem>>
    %dma_wait3A_48 = arith.constant 0 : i32
    %dma_wait3A_49 = arith.constant 0 : i32
    %dma_wait3A_50 = tpu.memref_slice %arg2[%dma_wait3A_48, %dma_wait3A_49] : memref<250000x128xf32, #tpu.memory_space<hbm>> -> memref<250000x128xf32, #tpu.memory_space<hbm>>
    tpu.wait_indirect_dma semaphore(%arg12 : memref<!tpu.dma_semaphore, #tpu.memory_space<semaphore_mem>>) src(%dma_wait3A_50 : memref<250000x128xf32, #tpu.memory_space<hbm>>) dst(%dma_wait3A_45 : memref<128x128xf32, #tpu.memory_space<vmem>>)
    %dma_wait3A_51 = arith.constant 0 : i32
    %dma_wait3A_52 = arith.constant 0 : i32
    %dma_wait3A_53 = arith.constant 0 : i32
    %dma_wait3A_54 = tpu.memref_slice %arg11[%dma_wait3A_51, %dma_wait3A_52, %dma_wait3A_53] : memref<2x128x128xf32, #tpu.memory_space<vmem>> -> memref<1x128x128xf32, #tpu.memory_space<vmem>>
    %dma_wait3A_55 = tpu.memref_squeeze %dma_wait3A_54 : memref<1x128x128xf32, #tpu.memory_space<vmem>> -> memref<128x128xf32, #tpu.memory_space<vmem>>
    %dma_wait3A_56 = arith.constant 0 : i32
    %dma_wait3A_57 = tpu.memref_slice %arg9[%dma_wait3A_56] : memref<512xi32, #tpu.memory_space<vmem>> -> memref<128xi32, #tpu.memory_space<vmem>>
    %dma_wait3A_58 = arith.constant 0 : i32
    %dma_wait3A_59 = arith.constant 0 : i32
    %dma_wait3A_60 = tpu.memref_slice %arg4[%dma_wait3A_58, %dma_wait3A_59] : memref<250000x128xf32, #tpu.memory_space<hbm>> -> memref<250000x128xf32, #tpu.memory_space<hbm>>
    tpu.wait_indirect_dma semaphore(%arg13 : memref<!tpu.dma_semaphore, #tpu.memory_space<semaphore_mem>>) src(%dma_wait3A_60 : memref<250000x128xf32, #tpu.memory_space<hbm>>) dst(%dma_wait3A_55 : memref<128x128xf32, #tpu.memory_space<vmem>>)
    %add3A_61 = arith.constant 0 : i32
    %add3A_62 = arith.addi %mul3A_2, %add3A_61 : i32
    %run_scoped3A = arith.constant 0 : i32
    "tpu.region"() ({
      %run_scoped3A_176 = tpu.sem_alloc : memref<!tpu.dma_semaphore, #tpu.memory_space<semaphore_mem>>
      %dma_start3A_177 = arith.constant 0 : i32
      %dma_start3A_178 = arith.constant 0 : i32
      %dma_start3A_179 = tpu.memref_slice %arg10[%run_scoped3A, %dma_start3A_177, %dma_start3A_178] : memref<2x128x128xf32, #tpu.memory_space<vmem>> -> memref<1x128x128xf32, #tpu.memory_space<vmem>>
      %dma_start3A_180 = tpu.memref_squeeze %dma_start3A_179 : memref<1x128x128xf32, #tpu.memory_space<vmem>> -> memref<128x128xf32, #tpu.memory_space<vmem>>
      %dma_start3A_181 = arith.constant 0 : i32
      %dma_start3A_182 = tpu.memref_slice %arg6[%add3A_62, %dma_start3A_181] : memref<16384x128xf32, #tpu.memory_space<hbm>> -> memref<128x128xf32, #tpu.memory_space<hbm>>
      %dma_start3A_183 = arith.constant 0 : i32
      %dma_start3A_184 = tpu.memref_slice %arg6[%add3A_62, %dma_start3A_183] : memref<16384x128xf32, #tpu.memory_space<hbm>> -> memref<128x128xf32, #tpu.memory_space<hbm>>
      %dma_start3A_185 = arith.constant 0 : i32
      %dma_start3A_186 = arith.constant 0 : i32
      %dma_start3A_187 = tpu.memref_slice %arg10[%run_scoped3A, %dma_start3A_185, %dma_start3A_186] : memref<2x128x128xf32, #tpu.memory_space<vmem>> -> memref<1x128x128xf32, #tpu.memory_space<vmem>>
      %dma_start3A_188 = tpu.memref_squeeze %dma_start3A_187 : memref<1x128x128xf32, #tpu.memory_space<vmem>> -> memref<128x128xf32, #tpu.memory_space<vmem>>
      tpu.enqueue_dma source(%dma_start3A_188 : memref<128x128xf32, #tpu.memory_space<vmem>>) target(%dma_start3A_184 : memref<128x128xf32, #tpu.memory_space<hbm>>) target_semaphore(%run_scoped3A_176 : memref<!tpu.dma_semaphore, #tpu.memory_space<semaphore_mem>>)
      %dma_wait3A_189 = arith.constant 0 : i32
      %dma_wait3A_190 = arith.constant 0 : i32
      %dma_wait3A_191 = tpu.memref_slice %arg10[%run_scoped3A, %dma_wait3A_189, %dma_wait3A_190] : memref<2x128x128xf32, #tpu.memory_space<vmem>> -> memref<1x128x128xf32, #tpu.memory_space<vmem>>
      %dma_wait3A_192 = tpu.memref_squeeze %dma_wait3A_191 : memref<1x128x128xf32, #tpu.memory_space<vmem>> -> memref<128x128xf32, #tpu.memory_space<vmem>>
      %dma_wait3A_193 = arith.constant 0 : i32
      %dma_wait3A_194 = tpu.memref_slice %arg6[%add3A_62, %dma_wait3A_193] : memref<16384x128xf32, #tpu.memory_space<hbm>> -> memref<128x128xf32, #tpu.memory_space<hbm>>
      %dma_wait3A_195 = arith.constant 0 : i32
      %dma_wait3A_196 = tpu.memref_slice %arg6[%add3A_62, %dma_wait3A_195] : memref<16384x128xf32, #tpu.memory_space<hbm>> -> memref<128x128xf32, #tpu.memory_space<hbm>>
      %dma_wait3A_197 = arith.constant 0 : i32
      %dma_wait3A_198 = arith.constant 0 : i32
      %dma_wait3A_199 = tpu.memref_slice %arg10[%run_scoped3A, %dma_wait3A_197, %dma_wait3A_198] : memref<2x128x128xf32, #tpu.memory_space<vmem>> -> memref<1x128x128xf32, #tpu.memory_space<vmem>>
      %dma_wait3A_200 = tpu.memref_squeeze %dma_wait3A_199 : memref<1x128x128xf32, #tpu.memory_space<vmem>> -> memref<128x128xf32, #tpu.memory_space<vmem>>
      tpu.wait_dma2 semaphore(%run_scoped3A_176 : memref<!tpu.dma_semaphore, #tpu.memory_space<semaphore_mem>>) src(%dma_wait3A_200 : memref<128x128xf32, #tpu.memory_space<vmem>>) dst(%dma_wait3A_196 : memref<128x128xf32, #tpu.memory_space<hbm>>)
      tpu.yield
    }) : () -> ()
    %run_scoped3A_63 = arith.constant 0 : i32
    "tpu.region"() ({
      %run_scoped3A_176 = tpu.sem_alloc : memref<!tpu.dma_semaphore, #tpu.memory_space<semaphore_mem>>
      %dma_start3A_177 = arith.constant 0 : i32
      %dma_start3A_178 = arith.constant 0 : i32
      %dma_start3A_179 = tpu.memref_slice %arg11[%run_scoped3A_63, %dma_start3A_177, %dma_start3A_178] : memref<2x128x128xf32, #tpu.memory_space<vmem>> -> memref<1x128x128xf32, #tpu.memory_space<vmem>>
      %dma_start3A_180 = tpu.memref_squeeze %dma_start3A_179 : memref<1x128x128xf32, #tpu.memory_space<vmem>> -> memref<128x128xf32, #tpu.memory_space<vmem>>
      %dma_start3A_181 = arith.constant 0 : i32
      %dma_start3A_182 = tpu.memref_slice %arg7[%add3A_62, %dma_start3A_181] : memref<16384x128xf32, #tpu.memory_space<hbm>> -> memref<128x128xf32, #tpu.memory_space<hbm>>
      %dma_start3A_183 = arith.constant 0 : i32
      %dma_start3A_184 = tpu.memref_slice %arg7[%add3A_62, %dma_start3A_183] : memref<16384x128xf32, #tpu.memory_space<hbm>> -> memref<128x128xf32, #tpu.memory_space<hbm>>
      %dma_start3A_185 = arith.constant 0 : i32
      %dma_start3A_186 = arith.constant 0 : i32
      %dma_start3A_187 = tpu.memref_slice %arg11[%run_scoped3A_63, %dma_start3A_185, %dma_start3A_186] : memref<2x128x128xf32, #tpu.memory_space<vmem>> -> memref<1x128x128xf32, #tpu.memory_space<vmem>>
      %dma_start3A_188 = tpu.memref_squeeze %dma_start3A_187 : memref<1x128x128xf32, #tpu.memory_space<vmem>> -> memref<128x128xf32, #tpu.memory_space<vmem>>
      tpu.enqueue_dma source(%dma_start3A_188 : memref<128x128xf32, #tpu.memory_space<vmem>>) target(%dma_start3A_184 : memref<128x128xf32, #tpu.memory_space<hbm>>) target_semaphore(%run_scoped3A_176 : memref<!tpu.dma_semaphore, #tpu.memory_space<semaphore_mem>>)
      %dma_wait3A_189 = arith.constant 0 : i32
      %dma_wait3A_190 = arith.constant 0 : i32
      %dma_wait3A_191 = tpu.memref_slice %arg11[%run_scoped3A_63, %dma_wait3A_189, %dma_wait3A_190] : memref<2x128x128xf32, #tpu.memory_space<vmem>> -> memref<1x128x128xf32, #tpu.memory_space<vmem>>
      %dma_wait3A_192 = tpu.memref_squeeze %dma_wait3A_191 : memref<1x128x128xf32, #tpu.memory_space<vmem>> -> memref<128x128xf32, #tpu.memory_space<vmem>>
      %dma_wait3A_193 = arith.constant 0 : i32
      %dma_wait3A_194 = tpu.memref_slice %arg7[%add3A_62, %dma_wait3A_193] : memref<16384x128xf32, #tpu.memory_space<hbm>> -> memref<128x128xf32, #tpu.memory_space<hbm>>
      %dma_wait3A_195 = arith.constant 0 : i32
      %dma_wait3A_196 = tpu.memref_slice %arg7[%add3A_62, %dma_wait3A_195] : memref<16384x128xf32, #tpu.memory_space<hbm>> -> memref<128x128xf32, #tpu.memory_space<hbm>>
      %dma_wait3A_197 = arith.constant 0 : i32
      %dma_wait3A_198 = arith.constant 0 : i32
      %dma_wait3A_199 = tpu.memref_slice %arg11[%run_scoped3A_63, %dma_wait3A_197, %dma_wait3A_198] : memref<2x128x128xf32, #tpu.memory_space<vmem>> -> memref<1x128x128xf32, #tpu.memory_space<vmem>>
      %dma_wait3A_200 = tpu.memref_squeeze %dma_wait3A_199 : memref<1x128x128xf32, #tpu.memory_space<vmem>> -> memref<128x128xf32, #tpu.memory_space<vmem>>
      tpu.wait_dma2 semaphore(%run_scoped3A_176 : memref<!tpu.dma_semaphore, #tpu.memory_space<semaphore_mem>>) src(%dma_wait3A_200 : memref<128x128xf32, #tpu.memory_space<vmem>>) dst(%dma_wait3A_196 : memref<128x128xf32, #tpu.memory_space<hbm>>)
      tpu.yield
    }) : () -> ()
    %dma_start3A_64 = arith.constant 0 : i32
    %dma_start3A_65 = arith.constant 0 : i32
    %dma_start3A_66 = arith.constant 0 : i32
    %dma_start3A_67 = tpu.memref_slice %arg10[%dma_start3A_64, %dma_start3A_65, %dma_start3A_66] : memref<2x128x128xf32, #tpu.memory_space<vmem>> -> memref<1x128x128xf32, #tpu.memory_space<vmem>>
    %dma_start3A_68 = tpu.memref_squeeze %dma_start3A_67 : memref<1x128x128xf32, #tpu.memory_space<vmem>> -> memref<128x128xf32, #tpu.memory_space<vmem>>
    %dma_start3A_69 = arith.constant 256 : i32
    %dma_start3A_70 = tpu.memref_slice %arg8[%dma_start3A_69] : memref<512xi32, #tpu.memory_space<vmem>> -> memref<128xi32, #tpu.memory_space<vmem>>
    %dma_start3A_71 = arith.constant 0 : i32
    %dma_start3A_72 = arith.constant 0 : i32
    %dma_start3A_73 = tpu.memref_slice %arg2[%dma_start3A_71, %dma_start3A_72] : memref<250000x128xf32, #tpu.memory_space<hbm>> -> memref<250000x128xf32, #tpu.memory_space<hbm>>
    tpu.enqueue_indirect_dma source(%dma_start3A_73 : memref<250000x128xf32, #tpu.memory_space<hbm>>) target(%dma_start3A_68 : memref<128x128xf32, #tpu.memory_space<vmem>>) offsets(%dma_start3A_70 : memref<128xi32, #tpu.memory_space<vmem>>) semaphore(%arg12 : memref<!tpu.dma_semaphore, #tpu.memory_space<semaphore_mem>>)
    %dma_start3A_74 = arith.constant 0 : i32
    %dma_start3A_75 = arith.constant 0 : i32
    %dma_start3A_76 = arith.constant 0 : i32
    %dma_start3A_77 = tpu.memref_slice %arg11[%dma_start3A_74, %dma_start3A_75, %dma_start3A_76] : memref<2x128x128xf32, #tpu.memory_space<vmem>> -> memref<1x128x128xf32, #tpu.memory_space<vmem>>
    %dma_start3A_78 = tpu.memref_squeeze %dma_start3A_77 : memref<1x128x128xf32, #tpu.memory_space<vmem>> -> memref<128x128xf32, #tpu.memory_space<vmem>>
    %dma_start3A_79 = arith.constant 256 : i32
    %dma_start3A_80 = tpu.memref_slice %arg9[%dma_start3A_79] : memref<512xi32, #tpu.memory_space<vmem>> -> memref<128xi32, #tpu.memory_space<vmem>>
    %dma_start3A_81 = arith.constant 0 : i32
    %dma_start3A_82 = arith.constant 0 : i32
    %dma_start3A_83 = tpu.memref_slice %arg4[%dma_start3A_81, %dma_start3A_82] : memref<250000x128xf32, #tpu.memory_space<hbm>> -> memref<250000x128xf32, #tpu.memory_space<hbm>>
    tpu.enqueue_indirect_dma source(%dma_start3A_83 : memref<250000x128xf32, #tpu.memory_space<hbm>>) target(%dma_start3A_78 : memref<128x128xf32, #tpu.memory_space<vmem>>) offsets(%dma_start3A_80 : memref<128xi32, #tpu.memory_space<vmem>>) semaphore(%arg13 : memref<!tpu.dma_semaphore, #tpu.memory_space<semaphore_mem>>)
    %dma_wait3A_84 = arith.constant 1 : i32
    %dma_wait3A_85 = arith.constant 0 : i32
    %dma_wait3A_86 = arith.constant 0 : i32
    %dma_wait3A_87 = tpu.memref_slice %arg10[%dma_wait3A_84, %dma_wait3A_85, %dma_wait3A_86] : memref<2x128x128xf32, #tpu.memory_space<vmem>> -> memref<1x128x128xf32, #tpu.memory_space<vmem>>
    %dma_wait3A_88 = tpu.memref_squeeze %dma_wait3A_87 : memref<1x128x128xf32, #tpu.memory_space<vmem>> -> memref<128x128xf32, #tpu.memory_space<vmem>>
    %dma_wait3A_89 = arith.constant 128 : i32
    %dma_wait3A_90 = tpu.memref_slice %arg8[%dma_wait3A_89] : memref<512xi32, #tpu.memory_space<vmem>> -> memref<128xi32, #tpu.memory_space<vmem>>
    %dma_wait3A_91 = arith.constant 0 : i32
    %dma_wait3A_92 = arith.constant 0 : i32
    %dma_wait3A_93 = tpu.memref_slice %arg2[%dma_wait3A_91, %dma_wait3A_92] : memref<250000x128xf32, #tpu.memory_space<hbm>> -> memref<250000x128xf32, #tpu.memory_space<hbm>>
    tpu.wait_indirect_dma semaphore(%arg12 : memref<!tpu.dma_semaphore, #tpu.memory_space<semaphore_mem>>) src(%dma_wait3A_93 : memref<250000x128xf32, #tpu.memory_space<hbm>>) dst(%dma_wait3A_88 : memref<128x128xf32, #tpu.memory_space<vmem>>)
    %dma_wait3A_94 = arith.constant 1 : i32
    %dma_wait3A_95 = arith.constant 0 : i32
    %dma_wait3A_96 = arith.constant 0 : i32
    %dma_wait3A_97 = tpu.memref_slice %arg11[%dma_wait3A_94, %dma_wait3A_95, %dma_wait3A_96] : memref<2x128x128xf32, #tpu.memory_space<vmem>> -> memref<1x128x128xf32, #tpu.memory_space<vmem>>
    %dma_wait3A_98 = tpu.memref_squeeze %dma_wait3A_97 : memref<1x128x128xf32, #tpu.memory_space<vmem>> -> memref<128x128xf32, #tpu.memory_space<vmem>>
    %dma_wait3A_99 = arith.constant 128 : i32
    %dma_wait3A_100 = tpu.memref_slice %arg9[%dma_wait3A_99] : memref<512xi32, #tpu.memory_space<vmem>> -> memref<128xi32, #tpu.memory_space<vmem>>
    %dma_wait3A_101 = arith.constant 0 : i32
    %dma_wait3A_102 = arith.constant 0 : i32
    %dma_wait3A_103 = tpu.memref_slice %arg4[%dma_wait3A_101, %dma_wait3A_102] : memref<250000x128xf32, #tpu.memory_space<hbm>> -> memref<250000x128xf32, #tpu.memory_space<hbm>>
    tpu.wait_indirect_dma semaphore(%arg13 : memref<!tpu.dma_semaphore, #tpu.memory_space<semaphore_mem>>) src(%dma_wait3A_103 : memref<250000x128xf32, #tpu.memory_space<hbm>>) dst(%dma_wait3A_98 : memref<128x128xf32, #tpu.memory_space<vmem>>)
    %add3A_104 = arith.constant 128 : i32
    %add3A_105 = arith.addi %mul3A_2, %add3A_104 : i32
    %run_scoped3A_106 = arith.constant 1 : i32
    "tpu.region"() ({
      %run_scoped3A_176 = tpu.sem_alloc : memref<!tpu.dma_semaphore, #tpu.memory_space<semaphore_mem>>
      %dma_start3A_177 = arith.constant 0 : i32
      %dma_start3A_178 = arith.constant 0 : i32
      %dma_start3A_179 = tpu.memref_slice %arg10[%run_scoped3A_106, %dma_start3A_177, %dma_start3A_178] : memref<2x128x128xf32, #tpu.memory_space<vmem>> -> memref<1x128x128xf32, #tpu.memory_space<vmem>>
      %dma_start3A_180 = tpu.memref_squeeze %dma_start3A_179 : memref<1x128x128xf32, #tpu.memory_space<vmem>> -> memref<128x128xf32, #tpu.memory_space<vmem>>
      %dma_start3A_181 = arith.constant 0 : i32
      %dma_start3A_182 = tpu.memref_slice %arg6[%add3A_105, %dma_start3A_181] : memref<16384x128xf32, #tpu.memory_space<hbm>> -> memref<128x128xf32, #tpu.memory_space<hbm>>
      %dma_start3A_183 = arith.constant 0 : i32
      %dma_start3A_184 = tpu.memref_slice %arg6[%add3A_105, %dma_start3A_183] : memref<16384x128xf32, #tpu.memory_space<hbm>> -> memref<128x128xf32, #tpu.memory_space<hbm>>
      %dma_start3A_185 = arith.constant 0 : i32
      %dma_start3A_186 = arith.constant 0 : i32
      %dma_start3A_187 = tpu.memref_slice %arg10[%run_scoped3A_106, %dma_start3A_185, %dma_start3A_186] : memref<2x128x128xf32, #tpu.memory_space<vmem>> -> memref<1x128x128xf32, #tpu.memory_space<vmem>>
      %dma_start3A_188 = tpu.memref_squeeze %dma_start3A_187 : memref<1x128x128xf32, #tpu.memory_space<vmem>> -> memref<128x128xf32, #tpu.memory_space<vmem>>
      tpu.enqueue_dma source(%dma_start3A_188 : memref<128x128xf32, #tpu.memory_space<vmem>>) target(%dma_start3A_184 : memref<128x128xf32, #tpu.memory_space<hbm>>) target_semaphore(%run_scoped3A_176 : memref<!tpu.dma_semaphore, #tpu.memory_space<semaphore_mem>>)
      %dma_wait3A_189 = arith.constant 0 : i32
      %dma_wait3A_190 = arith.constant 0 : i32
      %dma_wait3A_191 = tpu.memref_slice %arg10[%run_scoped3A_106, %dma_wait3A_189, %dma_wait3A_190] : memref<2x128x128xf32, #tpu.memory_space<vmem>> -> memref<1x128x128xf32, #tpu.memory_space<vmem>>
      %dma_wait3A_192 = tpu.memref_squeeze %dma_wait3A_191 : memref<1x128x128xf32, #tpu.memory_space<vmem>> -> memref<128x128xf32, #tpu.memory_space<vmem>>
      %dma_wait3A_193 = arith.constant 0 : i32
      %dma_wait3A_194 = tpu.memref_slice %arg6[%add3A_105, %dma_wait3A_193] : memref<16384x128xf32, #tpu.memory_space<hbm>> -> memref<128x128xf32, #tpu.memory_space<hbm>>
      %dma_wait3A_195 = arith.constant 0 : i32
      %dma_wait3A_196 = tpu.memref_slice %arg6[%add3A_105, %dma_wait3A_195] : memref<16384x128xf32, #tpu.memory_space<hbm>> -> memref<128x128xf32, #tpu.memory_space<hbm>>
      %dma_wait3A_197 = arith.constant 0 : i32
      %dma_wait3A_198 = arith.constant 0 : i32
      %dma_wait3A_199 = tpu.memref_slice %arg10[%run_scoped3A_106, %dma_wait3A_197, %dma_wait3A_198] : memref<2x128x128xf32, #tpu.memory_space<vmem>> -> memref<1x128x128xf32, #tpu.memory_space<vmem>>
      %dma_wait3A_200 = tpu.memref_squeeze %dma_wait3A_199 : memref<1x128x128xf32, #tpu.memory_space<vmem>> -> memref<128x128xf32, #tpu.memory_space<vmem>>
      tpu.wait_dma2 semaphore(%run_scoped3A_176 : memref<!tpu.dma_semaphore, #tpu.memory_space<semaphore_mem>>) src(%dma_wait3A_200 : memref<128x128xf32, #tpu.memory_space<vmem>>) dst(%dma_wait3A_196 : memref<128x128xf32, #tpu.memory_space<hbm>>)
      tpu.yield
    }) : () -> ()
    %run_scoped3A_107 = arith.constant 1 : i32
    "tpu.region"() ({
      %run_scoped3A_176 = tpu.sem_alloc : memref<!tpu.dma_semaphore, #tpu.memory_space<semaphore_mem>>
      %dma_start3A_177 = arith.constant 0 : i32
      %dma_start3A_178 = arith.constant 0 : i32
      %dma_start3A_179 = tpu.memref_slice %arg11[%run_scoped3A_107, %dma_start3A_177, %dma_start3A_178] : memref<2x128x128xf32, #tpu.memory_space<vmem>> -> memref<1x128x128xf32, #tpu.memory_space<vmem>>
      %dma_start3A_180 = tpu.memref_squeeze %dma_start3A_179 : memref<1x128x128xf32, #tpu.memory_space<vmem>> -> memref<128x128xf32, #tpu.memory_space<vmem>>
      %dma_start3A_181 = arith.constant 0 : i32
      %dma_start3A_182 = tpu.memref_slice %arg7[%add3A_105, %dma_start3A_181] : memref<16384x128xf32, #tpu.memory_space<hbm>> -> memref<128x128xf32, #tpu.memory_space<hbm>>
      %dma_start3A_183 = arith.constant 0 : i32
      %dma_start3A_184 = tpu.memref_slice %arg7[%add3A_105, %dma_start3A_183] : memref<16384x128xf32, #tpu.memory_space<hbm>> -> memref<128x128xf32, #tpu.memory_space<hbm>>
      %dma_start3A_185 = arith.constant 0 : i32
      %dma_start3A_186 = arith.constant 0 : i32
      %dma_start3A_187 = tpu.memref_slice %arg11[%run_scoped3A_107, %dma_start3A_185, %dma_start3A_186] : memref<2x128x128xf32, #tpu.memory_space<vmem>> -> memref<1x128x128xf32, #tpu.memory_space<vmem>>
      %dma_start3A_188 = tpu.memref_squeeze %dma_start3A_187 : memref<1x128x128xf32, #tpu.memory_space<vmem>> -> memref<128x128xf32, #tpu.memory_space<vmem>>
      tpu.enqueue_dma source(%dma_start3A_188 : memref<128x128xf32, #tpu.memory_space<vmem>>) target(%dma_start3A_184 : memref<128x128xf32, #tpu.memory_space<hbm>>) target_semaphore(%run_scoped3A_176 : memref<!tpu.dma_semaphore, #tpu.memory_space<semaphore_mem>>)
      %dma_wait3A_189 = arith.constant 0 : i32
      %dma_wait3A_190 = arith.constant 0 : i32
      %dma_wait3A_191 = tpu.memref_slice %arg11[%run_scoped3A_107, %dma_wait3A_189, %dma_wait3A_190] : memref<2x128x128xf32, #tpu.memory_space<vmem>> -> memref<1x128x128xf32, #tpu.memory_space<vmem>>
      %dma_wait3A_192 = tpu.memref_squeeze %dma_wait3A_191 : memref<1x128x128xf32, #tpu.memory_space<vmem>> -> memref<128x128xf32, #tpu.memory_space<vmem>>
      %dma_wait3A_193 = arith.constant 0 : i32
      %dma_wait3A_194 = tpu.memref_slice %arg7[%add3A_105, %dma_wait3A_193] : memref<16384x128xf32, #tpu.memory_space<hbm>> -> memref<128x128xf32, #tpu.memory_space<hbm>>
      %dma_wait3A_195 = arith.constant 0 : i32
      %dma_wait3A_196 = tpu.memref_slice %arg7[%add3A_105, %dma_wait3A_195] : memref<16384x128xf32, #tpu.memory_space<hbm>> -> memref<128x128xf32, #tpu.memory_space<hbm>>
      %dma_wait3A_197 = arith.constant 0 : i32
      %dma_wait3A_198 = arith.constant 0 : i32
      %dma_wait3A_199 = tpu.memref_slice %arg11[%run_scoped3A_107, %dma_wait3A_197, %dma_wait3A_198] : memref<2x128x128xf32, #tpu.memory_space<vmem>> -> memref<1x128x128xf32, #tpu.memory_space<vmem>>
      %dma_wait3A_200 = tpu.memref_squeeze %dma_wait3A_199 : memref<1x128x128xf32, #tpu.memory_space<vmem>> -> memref<128x128xf32, #tpu.memory_space<vmem>>
      tpu.wait_dma2 semaphore(%run_scoped3A_176 : memref<!tpu.dma_semaphore, #tpu.memory_space<semaphore_mem>>) src(%dma_wait3A_200 : memref<128x128xf32, #tpu.memory_space<vmem>>) dst(%dma_wait3A_196 : memref<128x128xf32, #tpu.memory_space<hbm>>)
      tpu.yield
    }) : () -> ()
    %dma_start3A_108 = arith.constant 1 : i32
    %dma_start3A_109 = arith.constant 0 : i32
    %dma_start3A_110 = arith.constant 0 : i32
    %dma_start3A_111 = tpu.memref_slice %arg10[%dma_start3A_108, %dma_start3A_109, %dma_start3A_110] : memref<2x128x128xf32, #tpu.memory_space<vmem>> -> memref<1x128x128xf32, #tpu.memory_space<vmem>>
    %dma_start3A_112 = tpu.memref_squeeze %dma_start3A_111 : memref<1x128x128xf32, #tpu.memory_space<vmem>> -> memref<128x128xf32, #tpu.memory_space<vmem>>
    %dma_start3A_113 = arith.constant 384 : i32
    %dma_start3A_114 = tpu.memref_slice %arg8[%dma_start3A_113] : memref<512xi32, #tpu.memory_space<vmem>> -> memref<128xi32, #tpu.memory_space<vmem>>
    %dma_start3A_115 = arith.constant 0 : i32
    %dma_start3A_116 = arith.constant 0 : i32
    %dma_start3A_117 = tpu.memref_slice %arg2[%dma_start3A_115, %dma_start3A_116] : memref<250000x128xf32, #tpu.memory_space<hbm>> -> memref<250000x128xf32, #tpu.memory_space<hbm>>
    tpu.enqueue_indirect_dma source(%dma_start3A_117 : memref<250000x128xf32, #tpu.memory_space<hbm>>) target(%dma_start3A_112 : memref<128x128xf32, #tpu.memory_space<vmem>>) offsets(%dma_start3A_114 : memref<128xi32, #tpu.memory_space<vmem>>) semaphore(%arg12 : memref<!tpu.dma_semaphore, #tpu.memory_space<semaphore_mem>>)
    %dma_start3A_118 = arith.constant 1 : i32
    %dma_start3A_119 = arith.constant 0 : i32
    %dma_start3A_120 = arith.constant 0 : i32
    %dma_start3A_121 = tpu.memref_slice %arg11[%dma_start3A_118, %dma_start3A_119, %dma_start3A_120] : memref<2x128x128xf32, #tpu.memory_space<vmem>> -> memref<1x128x128xf32, #tpu.memory_space<vmem>>
    %dma_start3A_122 = tpu.memref_squeeze %dma_start3A_121 : memref<1x128x128xf32, #tpu.memory_space<vmem>> -> memref<128x128xf32, #tpu.memory_space<vmem>>
    %dma_start3A_123 = arith.constant 384 : i32
    %dma_start3A_124 = tpu.memref_slice %arg9[%dma_start3A_123] : memref<512xi32, #tpu.memory_space<vmem>> -> memref<128xi32, #tpu.memory_space<vmem>>
    %dma_start3A_125 = arith.constant 0 : i32
    %dma_start3A_126 = arith.constant 0 : i32
    %dma_start3A_127 = tpu.memref_slice %arg4[%dma_start3A_125, %dma_start3A_126] : memref<250000x128xf32, #tpu.memory_space<hbm>> -> memref<250000x128xf32, #tpu.memory_space<hbm>>
    tpu.enqueue_indirect_dma source(%dma_start3A_127 : memref<250000x128xf32, #tpu.memory_space<hbm>>) target(%dma_start3A_122 : memref<128x128xf32, #tpu.memory_space<vmem>>) offsets(%dma_start3A_124 : memref<128xi32, #tpu.memory_space<vmem>>) semaphore(%arg13 : memref<!tpu.dma_semaphore, #tpu.memory_space<semaphore_mem>>)
    %dma_wait3A_128 = arith.constant 0 : i32
    %dma_wait3A_129 = arith.constant 0 : i32
    %dma_wait3A_130 = arith.constant 0 : i32
    %dma_wait3A_131 = tpu.memref_slice %arg10[%dma_wait3A_128, %dma_wait3A_129, %dma_wait3A_130] : memref<2x128x128xf32, #tpu.memory_space<vmem>> -> memref<1x128x128xf32, #tpu.memory_space<vmem>>
    %dma_wait3A_132 = tpu.memref_squeeze %dma_wait3A_131 : memref<1x128x128xf32, #tpu.memory_space<vmem>> -> memref<128x128xf32, #tpu.memory_space<vmem>>
    %dma_wait3A_133 = arith.constant 256 : i32
    %dma_wait3A_134 = tpu.memref_slice %arg8[%dma_wait3A_133] : memref<512xi32, #tpu.memory_space<vmem>> -> memref<128xi32, #tpu.memory_space<vmem>>
    %dma_wait3A_135 = arith.constant 0 : i32
    %dma_wait3A_136 = arith.constant 0 : i32
    %dma_wait3A_137 = tpu.memref_slice %arg2[%dma_wait3A_135, %dma_wait3A_136] : memref<250000x128xf32, #tpu.memory_space<hbm>> -> memref<250000x128xf32, #tpu.memory_space<hbm>>
    tpu.wait_indirect_dma semaphore(%arg12 : memref<!tpu.dma_semaphore, #tpu.memory_space<semaphore_mem>>) src(%dma_wait3A_137 : memref<250000x128xf32, #tpu.memory_space<hbm>>) dst(%dma_wait3A_132 : memref<128x128xf32, #tpu.memory_space<vmem>>)
    %dma_wait3A_138 = arith.constant 0 : i32
    %dma_wait3A_139 = arith.constant 0 : i32
    %dma_wait3A_140 = arith.constant 0 : i32
    %dma_wait3A_141 = tpu.memref_slice %arg11[%dma_wait3A_138, %dma_wait3A_139, %dma_wait3A_140] : memref<2x128x128xf32, #tpu.memory_space<vmem>> -> memref<1x128x128xf32, #tpu.memory_space<vmem>>
    %dma_wait3A_142 = tpu.memref_squeeze %dma_wait3A_141 : memref<1x128x128xf32, #tpu.memory_space<vmem>> -> memref<128x128xf32, #tpu.memory_space<vmem>>
    %dma_wait3A_143 = arith.constant 256 : i32
    %dma_wait3A_144 = tpu.memref_slice %arg9[%dma_wait3A_143] : memref<512xi32, #tpu.memory_space<vmem>> -> memref<128xi32, #tpu.memory_space<vmem>>
    %dma_wait3A_145 = arith.constant 0 : i32
    %dma_wait3A_146 = arith.constant 0 : i32
    %dma_wait3A_147 = tpu.memref_slice %arg4[%dma_wait3A_145, %dma_wait3A_146] : memref<250000x128xf32, #tpu.memory_space<hbm>> -> memref<250000x128xf32, #tpu.memory_space<hbm>>
    tpu.wait_indirect_dma semaphore(%arg13 : memref<!tpu.dma_semaphore, #tpu.memory_space<semaphore_mem>>) src(%dma_wait3A_147 : memref<250000x128xf32, #tpu.memory_space<hbm>>) dst(%dma_wait3A_142 : memref<128x128xf32, #tpu.memory_space<vmem>>)
    %add3A_148 = arith.constant 256 : i32
    %add3A_149 = arith.addi %mul3A_2, %add3A_148 : i32
    %run_scoped3A_150 = arith.constant 0 : i32
    "tpu.region"() ({
      %run_scoped3A_176 = tpu.sem_alloc : memref<!tpu.dma_semaphore, #tpu.memory_space<semaphore_mem>>
      %dma_start3A_177 = arith.constant 0 : i32
      %dma_start3A_178 = arith.constant 0 : i32
      %dma_start3A_179 = tpu.memref_slice %arg10[%run_scoped3A_150, %dma_start3A_177, %dma_start3A_178] : memref<2x128x128xf32, #tpu.memory_space<vmem>> -> memref<1x128x128xf32, #tpu.memory_space<vmem>>
      %dma_start3A_180 = tpu.memref_squeeze %dma_start3A_179 : memref<1x128x128xf32, #tpu.memory_space<vmem>> -> memref<128x128xf32, #tpu.memory_space<vmem>>
      %dma_start3A_181 = arith.constant 0 : i32
      %dma_start3A_182 = tpu.memref_slice %arg6[%add3A_149, %dma_start3A_181] : memref<16384x128xf32, #tpu.memory_space<hbm>> -> memref<128x128xf32, #tpu.memory_space<hbm>>
      %dma_start3A_183 = arith.constant 0 : i32
      %dma_start3A_184 = tpu.memref_slice %arg6[%add3A_149, %dma_start3A_183] : memref<16384x128xf32, #tpu.memory_space<hbm>> -> memref<128x128xf32, #tpu.memory_space<hbm>>
      %dma_start3A_185 = arith.constant 0 : i32
      %dma_start3A_186 = arith.constant 0 : i32
      %dma_start3A_187 = tpu.memref_slice %arg10[%run_scoped3A_150, %dma_start3A_185, %dma_start3A_186] : memref<2x128x128xf32, #tpu.memory_space<vmem>> -> memref<1x128x128xf32, #tpu.memory_space<vmem>>
      %dma_start3A_188 = tpu.memref_squeeze %dma_start3A_187 : memref<1x128x128xf32, #tpu.memory_space<vmem>> -> memref<128x128xf32, #tpu.memory_space<vmem>>
      tpu.enqueue_dma source(%dma_start3A_188 : memref<128x128xf32, #tpu.memory_space<vmem>>) target(%dma_start3A_184 : memref<128x128xf32, #tpu.memory_space<hbm>>) target_semaphore(%run_scoped3A_176 : memref<!tpu.dma_semaphore, #tpu.memory_space<semaphore_mem>>)
      %dma_wait3A_189 = arith.constant 0 : i32
      %dma_wait3A_190 = arith.constant 0 : i32
      %dma_wait3A_191 = tpu.memref_slice %arg10[%run_scoped3A_150, %dma_wait3A_189, %dma_wait3A_190] : memref<2x128x128xf32, #tpu.memory_space<vmem>> -> memref<1x128x128xf32, #tpu.memory_space<vmem>>
      %dma_wait3A_192 = tpu.memref_squeeze %dma_wait3A_191 : memref<1x128x128xf32, #tpu.memory_space<vmem>> -> memref<128x128xf32, #tpu.memory_space<vmem>>
      %dma_wait3A_193 = arith.constant 0 : i32
      %dma_wait3A_194 = tpu.memref_slice %arg6[%add3A_149, %dma_wait3A_193] : memref<16384x128xf32, #tpu.memory_space<hbm>> -> memref<128x128xf32, #tpu.memory_space<hbm>>
      %dma_wait3A_195 = arith.constant 0 : i32
      %dma_wait3A_196 = tpu.memref_slice %arg6[%add3A_149, %dma_wait3A_195] : memref<16384x128xf32, #tpu.memory_space<hbm>> -> memref<128x128xf32, #tpu.memory_space<hbm>>
      %dma_wait3A_197 = arith.constant 0 : i32
      %dma_wait3A_198 = arith.constant 0 : i32
      %dma_wait3A_199 = tpu.memref_slice %arg10[%run_scoped3A_150, %dma_wait3A_197, %dma_wait3A_198] : memref<2x128x128xf32, #tpu.memory_space<vmem>> -> memref<1x128x128xf32, #tpu.memory_space<vmem>>
      %dma_wait3A_200 = tpu.memref_squeeze %dma_wait3A_199 : memref<1x128x128xf32, #tpu.memory_space<vmem>> -> memref<128x128xf32, #tpu.memory_space<vmem>>
      tpu.wait_dma2 semaphore(%run_scoped3A_176 : memref<!tpu.dma_semaphore, #tpu.memory_space<semaphore_mem>>) src(%dma_wait3A_200 : memref<128x128xf32, #tpu.memory_space<vmem>>) dst(%dma_wait3A_196 : memref<128x128xf32, #tpu.memory_space<hbm>>)
      tpu.yield
    }) : () -> ()
    %run_scoped3A_151 = arith.constant 0 : i32
    "tpu.region"() ({
      %run_scoped3A_176 = tpu.sem_alloc : memref<!tpu.dma_semaphore, #tpu.memory_space<semaphore_mem>>
      %dma_start3A_177 = arith.constant 0 : i32
      %dma_start3A_178 = arith.constant 0 : i32
      %dma_start3A_179 = tpu.memref_slice %arg11[%run_scoped3A_151, %dma_start3A_177, %dma_start3A_178] : memref<2x128x128xf32, #tpu.memory_space<vmem>> -> memref<1x128x128xf32, #tpu.memory_space<vmem>>
      %dma_start3A_180 = tpu.memref_squeeze %dma_start3A_179 : memref<1x128x128xf32, #tpu.memory_space<vmem>> -> memref<128x128xf32, #tpu.memory_space<vmem>>
      %dma_start3A_181 = arith.constant 0 : i32
      %dma_start3A_182 = tpu.memref_slice %arg7[%add3A_149, %dma_start3A_181] : memref<16384x128xf32, #tpu.memory_space<hbm>> -> memref<128x128xf32, #tpu.memory_space<hbm>>
      %dma_start3A_183 = arith.constant 0 : i32
      %dma_start3A_184 = tpu.memref_slice %arg7[%add3A_149, %dma_start3A_183] : memref<16384x128xf32, #tpu.memory_space<hbm>> -> memref<128x128xf32, #tpu.memory_space<hbm>>
      %dma_start3A_185 = arith.constant 0 : i32
      %dma_start3A_186 = arith.constant 0 : i32
      %dma_start3A_187 = tpu.memref_slice %arg11[%run_scoped3A_151, %dma_start3A_185, %dma_start3A_186] : memref<2x128x128xf32, #tpu.memory_space<vmem>> -> memref<1x128x128xf32, #tpu.memory_space<vmem>>
      %dma_start3A_188 = tpu.memref_squeeze %dma_start3A_187 : memref<1x128x128xf32, #tpu.memory_space<vmem>> -> memref<128x128xf32, #tpu.memory_space<vmem>>
      tpu.enqueue_dma source(%dma_start3A_188 : memref<128x128xf32, #tpu.memory_space<vmem>>) target(%dma_start3A_184 : memref<128x128xf32, #tpu.memory_space<hbm>>) target_semaphore(%run_scoped3A_176 : memref<!tpu.dma_semaphore, #tpu.memory_space<semaphore_mem>>)
      %dma_wait3A_189 = arith.constant 0 : i32
      %dma_wait3A_190 = arith.constant 0 : i32
      %dma_wait3A_191 = tpu.memref_slice %arg11[%run_scoped3A_151, %dma_wait3A_189, %dma_wait3A_190] : memref<2x128x128xf32, #tpu.memory_space<vmem>> -> memref<1x128x128xf32, #tpu.memory_space<vmem>>
      %dma_wait3A_192 = tpu.memref_squeeze %dma_wait3A_191 : memref<1x128x128xf32, #tpu.memory_space<vmem>> -> memref<128x128xf32, #tpu.memory_space<vmem>>
      %dma_wait3A_193 = arith.constant 0 : i32
      %dma_wait3A_194 = tpu.memref_slice %arg7[%add3A_149, %dma_wait3A_193] : memref<16384x128xf32, #tpu.memory_space<hbm>> -> memref<128x128xf32, #tpu.memory_space<hbm>>
      %dma_wait3A_195 = arith.constant 0 : i32
      %dma_wait3A_196 = tpu.memref_slice %arg7[%add3A_149, %dma_wait3A_195] : memref<16384x128xf32, #tpu.memory_space<hbm>> -> memref<128x128xf32, #tpu.memory_space<hbm>>
      %dma_wait3A_197 = arith.constant 0 : i32
      %dma_wait3A_198 = arith.constant 0 : i32
      %dma_wait3A_199 = tpu.memref_slice %arg11[%run_scoped3A_151, %dma_wait3A_197, %dma_wait3A_198] : memref<2x128x128xf32, #tpu.memory_space<vmem>> -> memref<1x128x128xf32, #tpu.memory_space<vmem>>
      %dma_wait3A_200 = tpu.memref_squeeze %dma_wait3A_199 : memref<1x128x128xf32, #tpu.memory_space<vmem>> -> memref<128x128xf32, #tpu.memory_space<vmem>>
      tpu.wait_dma2 semaphore(%run_scoped3A_176 : memref<!tpu.dma_semaphore, #tpu.memory_space<semaphore_mem>>) src(%dma_wait3A_200 : memref<128x128xf32, #tpu.memory_space<vmem>>) dst(%dma_wait3A_196 : memref<128x128xf32, #tpu.memory_space<hbm>>)
      tpu.yield
    }) : () -> ()
    %dma_wait3A_152 = arith.constant 1 : i32
    %dma_wait3A_153 = arith.constant 0 : i32
    %dma_wait3A_154 = arith.constant 0 : i32
    %dma_wait3A_155 = tpu.memref_slice %arg10[%dma_wait3A_152, %dma_wait3A_153, %dma_wait3A_154] : memref<2x128x128xf32, #tpu.memory_space<vmem>> -> memref<1x128x128xf32, #tpu.memory_space<vmem>>
    %dma_wait3A_156 = tpu.memref_squeeze %dma_wait3A_155 : memref<1x128x128xf32, #tpu.memory_space<vmem>> -> memref<128x128xf32, #tpu.memory_space<vmem>>
    %dma_wait3A_157 = arith.constant 384 : i32
    %dma_wait3A_158 = tpu.memref_slice %arg8[%dma_wait3A_157] : memref<512xi32, #tpu.memory_space<vmem>> -> memref<128xi32, #tpu.memory_space<vmem>>
    %dma_wait3A_159 = arith.constant 0 : i32
    %dma_wait3A_160 = arith.constant 0 : i32
    %dma_wait3A_161 = tpu.memref_slice %arg2[%dma_wait3A_159, %dma_wait3A_160] : memref<250000x128xf32, #tpu.memory_space<hbm>> -> memref<250000x128xf32, #tpu.memory_space<hbm>>
    tpu.wait_indirect_dma semaphore(%arg12 : memref<!tpu.dma_semaphore, #tpu.memory_space<semaphore_mem>>) src(%dma_wait3A_161 : memref<250000x128xf32, #tpu.memory_space<hbm>>) dst(%dma_wait3A_156 : memref<128x128xf32, #tpu.memory_space<vmem>>)
    %dma_wait3A_162 = arith.constant 1 : i32
    %dma_wait3A_163 = arith.constant 0 : i32
    %dma_wait3A_164 = arith.constant 0 : i32
    %dma_wait3A_165 = tpu.memref_slice %arg11[%dma_wait3A_162, %dma_wait3A_163, %dma_wait3A_164] : memref<2x128x128xf32, #tpu.memory_space<vmem>> -> memref<1x128x128xf32, #tpu.memory_space<vmem>>
    %dma_wait3A_166 = tpu.memref_squeeze %dma_wait3A_165 : memref<1x128x128xf32, #tpu.memory_space<vmem>> -> memref<128x128xf32, #tpu.memory_space<vmem>>
    %dma_wait3A_167 = arith.constant 384 : i32
    %dma_wait3A_168 = tpu.memref_slice %arg9[%dma_wait3A_167] : memref<512xi32, #tpu.memory_space<vmem>> -> memref<128xi32, #tpu.memory_space<vmem>>
    %dma_wait3A_169 = arith.constant 0 : i32
    %dma_wait3A_170 = arith.constant 0 : i32
    %dma_wait3A_171 = tpu.memref_slice %arg4[%dma_wait3A_169, %dma_wait3A_170] : memref<250000x128xf32, #tpu.memory_space<hbm>> -> memref<250000x128xf32, #tpu.memory_space<hbm>>
    tpu.wait_indirect_dma semaphore(%arg13 : memref<!tpu.dma_semaphore, #tpu.memory_space<semaphore_mem>>) src(%dma_wait3A_171 : memref<250000x128xf32, #tpu.memory_space<hbm>>) dst(%dma_wait3A_166 : memref<128x128xf32, #tpu.memory_space<vmem>>)
    %add3A_172 = arith.constant 384 : i32
    %add3A_173 = arith.addi %mul3A_2, %add3A_172 : i32
    %run_scoped3A_174 = arith.constant 1 : i32
    "tpu.region"() ({
      %run_scoped3A_176 = tpu.sem_alloc : memref<!tpu.dma_semaphore, #tpu.memory_space<semaphore_mem>>
      %dma_start3A_177 = arith.constant 0 : i32
      %dma_start3A_178 = arith.constant 0 : i32
      %dma_start3A_179 = tpu.memref_slice %arg10[%run_scoped3A_174, %dma_start3A_177, %dma_start3A_178] : memref<2x128x128xf32, #tpu.memory_space<vmem>> -> memref<1x128x128xf32, #tpu.memory_space<vmem>>
      %dma_start3A_180 = tpu.memref_squeeze %dma_start3A_179 : memref<1x128x128xf32, #tpu.memory_space<vmem>> -> memref<128x128xf32, #tpu.memory_space<vmem>>
      %dma_start3A_181 = arith.constant 0 : i32
      %dma_start3A_182 = tpu.memref_slice %arg6[%add3A_173, %dma_start3A_181] : memref<16384x128xf32, #tpu.memory_space<hbm>> -> memref<128x128xf32, #tpu.memory_space<hbm>>
      %dma_start3A_183 = arith.constant 0 : i32
      %dma_start3A_184 = tpu.memref_slice %arg6[%add3A_173, %dma_start3A_183] : memref<16384x128xf32, #tpu.memory_space<hbm>> -> memref<128x128xf32, #tpu.memory_space<hbm>>
      %dma_start3A_185 = arith.constant 0 : i32
      %dma_start3A_186 = arith.constant 0 : i32
      %dma_start3A_187 = tpu.memref_slice %arg10[%run_scoped3A_174, %dma_start3A_185, %dma_start3A_186] : memref<2x128x128xf32, #tpu.memory_space<vmem>> -> memref<1x128x128xf32, #tpu.memory_space<vmem>>
      %dma_start3A_188 = tpu.memref_squeeze %dma_start3A_187 : memref<1x128x128xf32, #tpu.memory_space<vmem>> -> memref<128x128xf32, #tpu.memory_space<vmem>>
      tpu.enqueue_dma source(%dma_start3A_188 : memref<128x128xf32, #tpu.memory_space<vmem>>) target(%dma_start3A_184 : memref<128x128xf32, #tpu.memory_space<hbm>>) target_semaphore(%run_scoped3A_176 : memref<!tpu.dma_semaphore, #tpu.memory_space<semaphore_mem>>)
      %dma_wait3A_189 = arith.constant 0 : i32
      %dma_wait3A_190 = arith.constant 0 : i32
      %dma_wait3A_191 = tpu.memref_slice %arg10[%run_scoped3A_174, %dma_wait3A_189, %dma_wait3A_190] : memref<2x128x128xf32, #tpu.memory_space<vmem>> -> memref<1x128x128xf32, #tpu.memory_space<vmem>>
      %dma_wait3A_192 = tpu.memref_squeeze %dma_wait3A_191 : memref<1x128x128xf32, #tpu.memory_space<vmem>> -> memref<128x128xf32, #tpu.memory_space<vmem>>
      %dma_wait3A_193 = arith.constant 0 : i32
      %dma_wait3A_194 = tpu.memref_slice %arg6[%add3A_173, %dma_wait3A_193] : memref<16384x128xf32, #tpu.memory_space<hbm>> -> memref<128x128xf32, #tpu.memory_space<hbm>>
      %dma_wait3A_195 = arith.constant 0 : i32
      %dma_wait3A_196 = tpu.memref_slice %arg6[%add3A_173, %dma_wait3A_195] : memref<16384x128xf32, #tpu.memory_space<hbm>> -> memref<128x128xf32, #tpu.memory_space<hbm>>
      %dma_wait3A_197 = arith.constant 0 : i32
      %dma_wait3A_198 = arith.constant 0 : i32
      %dma_wait3A_199 = tpu.memref_slice %arg10[%run_scoped3A_174, %dma_wait3A_197, %dma_wait3A_198] : memref<2x128x128xf32, #tpu.memory_space<vmem>> -> memref<1x128x128xf32, #tpu.memory_space<vmem>>
      %dma_wait3A_200 = tpu.memref_squeeze %dma_wait3A_199 : memref<1x128x128xf32, #tpu.memory_space<vmem>> -> memref<128x128xf32, #tpu.memory_space<vmem>>
      tpu.wait_dma2 semaphore(%run_scoped3A_176 : memref<!tpu.dma_semaphore, #tpu.memory_space<semaphore_mem>>) src(%dma_wait3A_200 : memref<128x128xf32, #tpu.memory_space<vmem>>) dst(%dma_wait3A_196 : memref<128x128xf32, #tpu.memory_space<hbm>>)
      tpu.yield
    }) : () -> ()
    %run_scoped3A_175 = arith.constant 1 : i32
    "tpu.region"() ({
      %run_scoped3A_176 = tpu.sem_alloc : memref<!tpu.dma_semaphore, #tpu.memory_space<semaphore_mem>>
      %dma_start3A_177 = arith.constant 0 : i32
      %dma_start3A_178 = arith.constant 0 : i32
      %dma_start3A_179 = tpu.memref_slice %arg11[%run_scoped3A_175, %dma_start3A_177, %dma_start3A_178] : memref<2x128x128xf32, #tpu.memory_space<vmem>> -> memref<1x128x128xf32, #tpu.memory_space<vmem>>
      %dma_start3A_180 = tpu.memref_squeeze %dma_start3A_179 : memref<1x128x128xf32, #tpu.memory_space<vmem>> -> memref<128x128xf32, #tpu.memory_space<vmem>>
      %dma_start3A_181 = arith.constant 0 : i32
      %dma_start3A_182 = tpu.memref_slice %arg7[%add3A_173, %dma_start3A_181] : memref<16384x128xf32, #tpu.memory_space<hbm>> -> memref<128x128xf32, #tpu.memory_space<hbm>>
      %dma_start3A_183 = arith.constant 0 : i32
      %dma_start3A_184 = tpu.memref_slice %arg7[%add3A_173, %dma_start3A_183] : memref<16384x128xf32, #tpu.memory_space<hbm>> -> memref<128x128xf32, #tpu.memory_space<hbm>>
      %dma_start3A_185 = arith.constant 0 : i32
      %dma_start3A_186 = arith.constant 0 : i32
      %dma_start3A_187 = tpu.memref_slice %arg11[%run_scoped3A_175, %dma_start3A_185, %dma_start3A_186] : memref<2x128x128xf32, #tpu.memory_space<vmem>> -> memref<1x128x128xf32, #tpu.memory_space<vmem>>
      %dma_start3A_188 = tpu.memref_squeeze %dma_start3A_187 : memref<1x128x128xf32, #tpu.memory_space<vmem>> -> memref<128x128xf32, #tpu.memory_space<vmem>>
      tpu.enqueue_dma source(%dma_start3A_188 : memref<128x128xf32, #tpu.memory_space<vmem>>) target(%dma_start3A_184 : memref<128x128xf32, #tpu.memory_space<hbm>>) target_semaphore(%run_scoped3A_176 : memref<!tpu.dma_semaphore, #tpu.memory_space<semaphore_mem>>)
      %dma_wait3A_189 = arith.constant 0 : i32
      %dma_wait3A_190 = arith.constant 0 : i32
      %dma_wait3A_191 = tpu.memref_slice %arg11[%run_scoped3A_175, %dma_wait3A_189, %dma_wait3A_190] : memref<2x128x128xf32, #tpu.memory_space<vmem>> -> memref<1x128x128xf32, #tpu.memory_space<vmem>>
      %dma_wait3A_192 = tpu.memref_squeeze %dma_wait3A_191 : memref<1x128x128xf32, #tpu.memory_space<vmem>> -> memref<128x128xf32, #tpu.memory_space<vmem>>
      %dma_wait3A_193 = arith.constant 0 : i32
      %dma_wait3A_194 = tpu.memref_slice %arg7[%add3A_173, %dma_wait3A_193] : memref<16384x128xf32, #tpu.memory_space<hbm>> -> memref<128x128xf32, #tpu.memory_space<hbm>>
      %dma_wait3A_195 = arith.constant 0 : i32
      %dma_wait3A_196 = tpu.memref_slice %arg7[%add3A_173, %dma_wait3A_195] : memref<16384x128xf32, #tpu.memory_space<hbm>> -> memref<128x128xf32, #tpu.memory_space<hbm>>
      %dma_wait3A_197 = arith.constant 0 : i32
      %dma_wait3A_198 = arith.constant 0 : i32
      %dma_wait3A_199 = tpu.memref_slice %arg11[%run_scoped3A_175, %dma_wait3A_197, %dma_wait3A_198] : memref<2x128x128xf32, #tpu.memory_space<vmem>> -> memref<1x128x128xf32, #tpu.memory_space<vmem>>
      %dma_wait3A_200 = tpu.memref_squeeze %dma_wait3A_199 : memref<1x128x128xf32, #tpu.memory_space<vmem>> -> memref<128x128xf32, #tpu.memory_space<vmem>>
      tpu.wait_dma2 semaphore(%run_scoped3A_176 : memref<!tpu.dma_semaphore, #tpu.memory_space<semaphore_mem>>) src(%dma_wait3A_200 : memref<128x128xf32, #tpu.memory_space<vmem>>) dst(%dma_wait3A_196 : memref<128x128xf32, #tpu.memory_space<hbm>>)
      tpu.yield
    }) : () -> ()
    return
  }
}

module attributes {stable_mosaic.version = 14 : i64} {
  func.func @_mlp_body(%arg0: i32, %arg1: memref<2048x128xf32, #tpu.memory_space<vmem>>, %arg2: memref<2048x128xf32, #tpu.memory_space<vmem>>, %arg3: memref<2048x1xi32, #tpu.memory_space<vmem>>, %arg4: memref<2048x1xi32, #tpu.memory_space<vmem>>, %arg5: memref<2048x128xf32, #tpu.memory_space<vmem>>, %arg6: memref<2048x128xf32, #tpu.memory_space<vmem>>, %arg7: memref<128x32xf32, #tpu.memory_space<vmem>>, %arg8: memref<1x32xf32, #tpu.memory_space<vmem>>, %arg9: memref<128x32xf32, #tpu.memory_space<vmem>>, %arg10: memref<1x32xf32, #tpu.memory_space<vmem>>, %arg11: memref<128x256xf32, #tpu.memory_space<vmem>>, %arg12: memref<1x256xf32, #tpu.memory_space<vmem>>, %arg13: memref<256x128xf32, #tpu.memory_space<vmem>>, %arg14: memref<1x128xf32, #tpu.memory_space<vmem>>, %arg15: memref<1x128xf32, #tpu.memory_space<vmem>>, %arg16: memref<1x1xf32, #tpu.memory_space<vmem>>, %arg17: memref<2048x1xf32, #tpu.memory_space<vmem>>) attributes {dimension_semantics = [#tpu.dimension_semantics<arbitrary>], iteration_bounds = array<i64: 8>, scalar_prefetch = 0 : i64, scratch_operands = 0 : i64, tpu.core_type = #tpu.core_type<tc>, window_params = [{transform_indices = @transform_0, window_bounds = array<i64: 2048, 128>}, {transform_indices = @transform_1, window_bounds = array<i64: 2048, 128>}, {transform_indices = @transform_2, window_bounds = array<i64: 2048, 1>}, {transform_indices = @transform_3, window_bounds = array<i64: 2048, 1>}, {transform_indices = @transform_4, window_bounds = array<i64: 2048, 128>}, {transform_indices = @transform_5, window_bounds = array<i64: 2048, 128>}, {pipeline_mode = #tpu.pipeline_mode<synchronous>, transform_indices = @transform_6, window_bounds = array<i64: 128, 32>}, {pipeline_mode = #tpu.pipeline_mode<synchronous>, transform_indices = @transform_7, window_bounds = array<i64: 1, 32>}, {pipeline_mode = #tpu.pipeline_mode<synchronous>, transform_indices = @transform_8, window_bounds = array<i64: 128, 32>}, {pipeline_mode = #tpu.pipeline_mode<synchronous>, transform_indices = @transform_9, window_bounds = array<i64: 1, 32>}, {pipeline_mode = #tpu.pipeline_mode<synchronous>, transform_indices = @transform_10, window_bounds = array<i64: 128, 256>}, {pipeline_mode = #tpu.pipeline_mode<synchronous>, transform_indices = @transform_11, window_bounds = array<i64: 1, 256>}, {pipeline_mode = #tpu.pipeline_mode<synchronous>, transform_indices = @transform_12, window_bounds = array<i64: 256, 128>}, {pipeline_mode = #tpu.pipeline_mode<synchronous>, transform_indices = @transform_13, window_bounds = array<i64: 1, 128>}, {pipeline_mode = #tpu.pipeline_mode<synchronous>, transform_indices = @transform_14, window_bounds = array<i64: 1, 128>}, {pipeline_mode = #tpu.pipeline_mode<synchronous>, transform_indices = @transform_15, window_bounds = array<i64: 1, 1>}, {transform_indices = @transform_16, window_bounds = array<i64: 2048, 1>}]} {
    %get3A = arith.constant 0 : index
    %get3A_0 = arith.constant 0 : index
    %get3A_1 = vector.load %arg1[%get3A, %get3A_0] : memref<2048x128xf32, #tpu.memory_space<vmem>>, vector<2048x128xf32>
    %get3A_2 = arith.constant 0 : index
    %get3A_3 = arith.constant 0 : index
    %get3A_4 = vector.load %arg3[%get3A_2, %get3A_3] : memref<2048x1xi32, #tpu.memory_space<vmem>>, vector<2048x1xi32>
    %broadcast_in_dim3A = arith.constant 0.000000e+00 : f32
    %broadcast_in_dim3A_5 = vector.broadcast %broadcast_in_dim3A : f32 to vector<2048x32xf32>
    %eq3A = arith.constant 0 : i32
    %eq3A_6 = vector.broadcast %eq3A : i32 to vector<2048x1xi32>
    %eq3A_7 = arith.cmpi eq, %get3A_4, %eq3A_6 : vector<2048x1xi32>
    %convert_element_type3A = arith.extui %eq3A_7 : vector<2048x1xi1> to vector<2048x1xi32>
    %convert_element_type3A_8 = arith.sitofp %convert_element_type3A : vector<2048x1xi32> to vector<2048x1xf32>
    %slice3A = vector.extract_strided_slice %get3A_1 {offsets = [0, 0], sizes = [2048, 32], strides = [1, 1]} : vector<2048x128xf32> to vector<2048x32xf32>
    %mul3A = vector.broadcast %convert_element_type3A_8 : vector<2048x1xf32> to vector<2048x32xf32>
    %mul3A_9 = arith.mulf %mul3A, %slice3A : vector<2048x32xf32>
    %add3A = arith.addf %broadcast_in_dim3A_5, %mul3A_9 : vector<2048x32xf32>
    %eq3A_10 = arith.constant 1 : i32
    %eq3A_11 = vector.broadcast %eq3A_10 : i32 to vector<2048x1xi32>
    %eq3A_12 = arith.cmpi eq, %get3A_4, %eq3A_11 : vector<2048x1xi32>
    %convert_element_type3A_13 = arith.extui %eq3A_12 : vector<2048x1xi1> to vector<2048x1xi32>
    %convert_element_type3A_14 = arith.sitofp %convert_element_type3A_13 : vector<2048x1xi32> to vector<2048x1xf32>
    %slice3A_15 = vector.extract_strided_slice %get3A_1 {offsets = [0, 32], sizes = [2048, 32], strides = [1, 1]} : vector<2048x128xf32> to vector<2048x32xf32>
    %mul3A_16 = vector.broadcast %convert_element_type3A_14 : vector<2048x1xf32> to vector<2048x32xf32>
    %mul3A_17 = arith.mulf %mul3A_16, %slice3A_15 : vector<2048x32xf32>
    %add3A_18 = arith.addf %add3A, %mul3A_17 : vector<2048x32xf32>
    %eq3A_19 = arith.constant 2 : i32
    %eq3A_20 = vector.broadcast %eq3A_19 : i32 to vector<2048x1xi32>
    %eq3A_21 = arith.cmpi eq, %get3A_4, %eq3A_20 : vector<2048x1xi32>
    %convert_element_type3A_22 = arith.extui %eq3A_21 : vector<2048x1xi1> to vector<2048x1xi32>
    %convert_element_type3A_23 = arith.sitofp %convert_element_type3A_22 : vector<2048x1xi32> to vector<2048x1xf32>
    %slice3A_24 = vector.extract_strided_slice %get3A_1 {offsets = [0, 64], sizes = [2048, 32], strides = [1, 1]} : vector<2048x128xf32> to vector<2048x32xf32>
    %mul3A_25 = vector.broadcast %convert_element_type3A_23 : vector<2048x1xf32> to vector<2048x32xf32>
    %mul3A_26 = arith.mulf %mul3A_25, %slice3A_24 : vector<2048x32xf32>
    %add3A_27 = arith.addf %add3A_18, %mul3A_26 : vector<2048x32xf32>
    %eq3A_28 = arith.constant 3 : i32
    %eq3A_29 = vector.broadcast %eq3A_28 : i32 to vector<2048x1xi32>
    %eq3A_30 = arith.cmpi eq, %get3A_4, %eq3A_29 : vector<2048x1xi32>
    %convert_element_type3A_31 = arith.extui %eq3A_30 : vector<2048x1xi1> to vector<2048x1xi32>
    %convert_element_type3A_32 = arith.sitofp %convert_element_type3A_31 : vector<2048x1xi32> to vector<2048x1xf32>
    %slice3A_33 = vector.extract_strided_slice %get3A_1 {offsets = [0, 96], sizes = [2048, 32], strides = [1, 1]} : vector<2048x128xf32> to vector<2048x32xf32>
    %mul3A_34 = vector.broadcast %convert_element_type3A_32 : vector<2048x1xf32> to vector<2048x32xf32>
    %mul3A_35 = arith.mulf %mul3A_34, %slice3A_33 : vector<2048x32xf32>
    %add3A_36 = arith.addf %add3A_27, %mul3A_35 : vector<2048x32xf32>
    %get3A_37 = arith.constant 0 : index
    %get3A_38 = arith.constant 0 : index
    %get3A_39 = vector.load %arg2[%get3A_37, %get3A_38] : memref<2048x128xf32, #tpu.memory_space<vmem>>, vector<2048x128xf32>
    %get3A_40 = arith.constant 0 : index
    %get3A_41 = arith.constant 0 : index
    %get3A_42 = vector.load %arg4[%get3A_40, %get3A_41] : memref<2048x1xi32, #tpu.memory_space<vmem>>, vector<2048x1xi32>
    %broadcast_in_dim3A_43 = arith.constant 0.000000e+00 : f32
    %broadcast_in_dim3A_44 = vector.broadcast %broadcast_in_dim3A_43 : f32 to vector<2048x32xf32>
    %eq3A_45 = arith.constant 0 : i32
    %eq3A_46 = vector.broadcast %eq3A_45 : i32 to vector<2048x1xi32>
    %eq3A_47 = arith.cmpi eq, %get3A_42, %eq3A_46 : vector<2048x1xi32>
    %convert_element_type3A_48 = arith.extui %eq3A_47 : vector<2048x1xi1> to vector<2048x1xi32>
    %convert_element_type3A_49 = arith.sitofp %convert_element_type3A_48 : vector<2048x1xi32> to vector<2048x1xf32>
    %slice3A_50 = vector.extract_strided_slice %get3A_39 {offsets = [0, 0], sizes = [2048, 32], strides = [1, 1]} : vector<2048x128xf32> to vector<2048x32xf32>
    %mul3A_51 = vector.broadcast %convert_element_type3A_49 : vector<2048x1xf32> to vector<2048x32xf32>
    %mul3A_52 = arith.mulf %mul3A_51, %slice3A_50 : vector<2048x32xf32>
    %add3A_53 = arith.addf %broadcast_in_dim3A_44, %mul3A_52 : vector<2048x32xf32>
    %eq3A_54 = arith.constant 1 : i32
    %eq3A_55 = vector.broadcast %eq3A_54 : i32 to vector<2048x1xi32>
    %eq3A_56 = arith.cmpi eq, %get3A_42, %eq3A_55 : vector<2048x1xi32>
    %convert_element_type3A_57 = arith.extui %eq3A_56 : vector<2048x1xi1> to vector<2048x1xi32>
    %convert_element_type3A_58 = arith.sitofp %convert_element_type3A_57 : vector<2048x1xi32> to vector<2048x1xf32>
    %slice3A_59 = vector.extract_strided_slice %get3A_39 {offsets = [0, 32], sizes = [2048, 32], strides = [1, 1]} : vector<2048x128xf32> to vector<2048x32xf32>
    %mul3A_60 = vector.broadcast %convert_element_type3A_58 : vector<2048x1xf32> to vector<2048x32xf32>
    %mul3A_61 = arith.mulf %mul3A_60, %slice3A_59 : vector<2048x32xf32>
    %add3A_62 = arith.addf %add3A_53, %mul3A_61 : vector<2048x32xf32>
    %eq3A_63 = arith.constant 2 : i32
    %eq3A_64 = vector.broadcast %eq3A_63 : i32 to vector<2048x1xi32>
    %eq3A_65 = arith.cmpi eq, %get3A_42, %eq3A_64 : vector<2048x1xi32>
    %convert_element_type3A_66 = arith.extui %eq3A_65 : vector<2048x1xi1> to vector<2048x1xi32>
    %convert_element_type3A_67 = arith.sitofp %convert_element_type3A_66 : vector<2048x1xi32> to vector<2048x1xf32>
    %slice3A_68 = vector.extract_strided_slice %get3A_39 {offsets = [0, 64], sizes = [2048, 32], strides = [1, 1]} : vector<2048x128xf32> to vector<2048x32xf32>
    %mul3A_69 = vector.broadcast %convert_element_type3A_67 : vector<2048x1xf32> to vector<2048x32xf32>
    %mul3A_70 = arith.mulf %mul3A_69, %slice3A_68 : vector<2048x32xf32>
    %add3A_71 = arith.addf %add3A_62, %mul3A_70 : vector<2048x32xf32>
    %eq3A_72 = arith.constant 3 : i32
    %eq3A_73 = vector.broadcast %eq3A_72 : i32 to vector<2048x1xi32>
    %eq3A_74 = arith.cmpi eq, %get3A_42, %eq3A_73 : vector<2048x1xi32>
    %convert_element_type3A_75 = arith.extui %eq3A_74 : vector<2048x1xi1> to vector<2048x1xi32>
    %convert_element_type3A_76 = arith.sitofp %convert_element_type3A_75 : vector<2048x1xi32> to vector<2048x1xf32>
    %slice3A_77 = vector.extract_strided_slice %get3A_39 {offsets = [0, 96], sizes = [2048, 32], strides = [1, 1]} : vector<2048x128xf32> to vector<2048x32xf32>
    %mul3A_78 = vector.broadcast %convert_element_type3A_76 : vector<2048x1xf32> to vector<2048x32xf32>
    %mul3A_79 = arith.mulf %mul3A_78, %slice3A_77 : vector<2048x32xf32>
    %add3A_80 = arith.addf %add3A_71, %mul3A_79 : vector<2048x32xf32>
    %get3A_81 = arith.constant 0 : index
    %get3A_82 = arith.constant 0 : index
    %get3A_83 = vector.load %arg5[%get3A_81, %get3A_82] : memref<2048x128xf32, #tpu.memory_space<vmem>>, vector<2048x128xf32>
    %get3A_84 = arith.constant 0 : index
    %get3A_85 = arith.constant 0 : index
    %get3A_86 = vector.load %arg7[%get3A_84, %get3A_85] : memref<128x32xf32, #tpu.memory_space<vmem>>, vector<128x32xf32>
    %dot_general3A = arith.constant dense<0.000000e+00> : vector<2048x32xf32>
    %dot_general3A_87 = tpu.matmul %get3A_83, %get3A_86, %dot_general3A {dimension_numbers = #tpu.dot_dimension_numbers<[1], [0], [0], [1], [0, 0, 1, 1], [], []>, transpose_lhs_hint = false} : vector<2048x128xf32>, vector<128x32xf32>, vector<2048x32xf32> -> vector<2048x32xf32>
    %get3A_88 = arith.constant 0 : index
    %get3A_89 = arith.constant 0 : index
    %get3A_90 = vector.load %arg8[%get3A_88, %get3A_89] : memref<1x32xf32, #tpu.memory_space<vmem>>, vector<1x32xf32>
    %add3A_91 = vector.broadcast %get3A_90 : vector<1x32xf32> to vector<2048x32xf32>
    %add3A_92 = arith.addf %dot_general3A_87, %add3A_91 : vector<2048x32xf32>
    %get3A_93 = arith.constant 0 : index
    %get3A_94 = arith.constant 0 : index
    %get3A_95 = vector.load %arg6[%get3A_93, %get3A_94] : memref<2048x128xf32, #tpu.memory_space<vmem>>, vector<2048x128xf32>
    %get3A_96 = arith.constant 0 : index
    %get3A_97 = arith.constant 0 : index
    %get3A_98 = vector.load %arg9[%get3A_96, %get3A_97] : memref<128x32xf32, #tpu.memory_space<vmem>>, vector<128x32xf32>
    %dot_general3A_99 = arith.constant dense<0.000000e+00> : vector<2048x32xf32>
    %dot_general3A_100 = tpu.matmul %get3A_95, %get3A_98, %dot_general3A_99 {dimension_numbers = #tpu.dot_dimension_numbers<[1], [0], [0], [1], [0, 0, 1, 1], [], []>, transpose_lhs_hint = false} : vector<2048x128xf32>, vector<128x32xf32>, vector<2048x32xf32> -> vector<2048x32xf32>
    %get3A_101 = arith.constant 0 : index
    %get3A_102 = arith.constant 0 : index
    %get3A_103 = vector.load %arg10[%get3A_101, %get3A_102] : memref<1x32xf32, #tpu.memory_space<vmem>>, vector<1x32xf32>
    %add3A_104 = vector.broadcast %get3A_103 : vector<1x32xf32> to vector<2048x32xf32>
    %add3A_105 = arith.addf %dot_general3A_100, %add3A_104 : vector<2048x32xf32>
    %concatenate3A = tpu.concatenate %add3A_36, %add3A_92, %add3A_80, %add3A_105 in 1 : vector<2048x32xf32>, vector<2048x32xf32>, vector<2048x32xf32>, vector<2048x32xf32> -> vector<2048x128xf32>
    %get3A_106 = arith.constant 0 : index
    %get3A_107 = arith.constant 0 : index
    %get3A_108 = vector.load %arg11[%get3A_106, %get3A_107] : memref<128x256xf32, #tpu.memory_space<vmem>>, vector<128x256xf32>
    %dot_general3A_109 = arith.constant dense<0.000000e+00> : vector<2048x256xf32>
    %dot_general3A_110 = tpu.matmul %concatenate3A, %get3A_108, %dot_general3A_109 {dimension_numbers = #tpu.dot_dimension_numbers<[1], [0], [0], [1], [0, 0, 1, 1], [], []>, transpose_lhs_hint = false} : vector<2048x128xf32>, vector<128x256xf32>, vector<2048x256xf32> -> vector<2048x256xf32>
    %get3A_111 = arith.constant 0 : index
    %get3A_112 = arith.constant 0 : index
    %get3A_113 = vector.load %arg12[%get3A_111, %get3A_112] : memref<1x256xf32, #tpu.memory_space<vmem>>, vector<1x256xf32>
    %add3A_114 = vector.broadcast %get3A_113 : vector<1x256xf32> to vector<2048x256xf32>
    %add3A_115 = arith.addf %dot_general3A_110, %add3A_114 : vector<2048x256xf32>
    %max3A = arith.constant 0.000000e+00 : f32
    %max3A_116 = vector.broadcast %max3A : f32 to vector<2048x256xf32>
    %max3A_117 = arith.maximumf %add3A_115, %max3A_116 : vector<2048x256xf32>
    %get3A_118 = arith.constant 0 : index
    %get3A_119 = arith.constant 0 : index
    %get3A_120 = vector.load %arg13[%get3A_118, %get3A_119] : memref<256x128xf32, #tpu.memory_space<vmem>>, vector<256x128xf32>
    %dot_general3A_121 = arith.constant dense<0.000000e+00> : vector<2048x128xf32>
    %dot_general3A_122 = tpu.matmul %max3A_117, %get3A_120, %dot_general3A_121 {dimension_numbers = #tpu.dot_dimension_numbers<[1], [0], [0], [1], [0, 0, 1, 1], [], []>, transpose_lhs_hint = false} : vector<2048x256xf32>, vector<256x128xf32>, vector<2048x128xf32> -> vector<2048x128xf32>
    %get3A_123 = arith.constant 0 : index
    %get3A_124 = arith.constant 0 : index
    %get3A_125 = vector.load %arg14[%get3A_123, %get3A_124] : memref<1x128xf32, #tpu.memory_space<vmem>>, vector<1x128xf32>
    %add3A_126 = vector.broadcast %get3A_125 : vector<1x128xf32> to vector<2048x128xf32>
    %add3A_127 = arith.addf %dot_general3A_122, %add3A_126 : vector<2048x128xf32>
    %max3A_128 = arith.constant 0.000000e+00 : f32
    %max3A_129 = vector.broadcast %max3A_128 : f32 to vector<2048x128xf32>
    %max3A_130 = arith.maximumf %add3A_127, %max3A_129 : vector<2048x128xf32>
    %get3A_131 = arith.constant 0 : index
    %get3A_132 = arith.constant 0 : index
    %get3A_133 = vector.load %arg15[%get3A_131, %get3A_132] : memref<1x128xf32, #tpu.memory_space<vmem>>, vector<1x128xf32>
    %mul3A_134 = vector.broadcast %get3A_133 : vector<1x128xf32> to vector<2048x128xf32>
    %mul3A_135 = arith.mulf %max3A_130, %mul3A_134 : vector<2048x128xf32>
    %reduce_sum3A = arith.constant dense<0.000000e+00> : vector<2048xf32>
    %reduce_sum3A_136 = vector.multi_reduction <add>, %mul3A_135, %reduce_sum3A [1] : vector<2048x128xf32> to vector<2048xf32>
    %broadcast_in_dim3A_137 = vector.shape_cast %reduce_sum3A_136 : vector<2048xf32> to vector<2048x1xf32>
    %get3A_138 = arith.constant 0 : index
    %get3A_139 = arith.constant 0 : index
    %get3A_140 = vector.load %arg16[%get3A_138, %get3A_139] : memref<1x1xf32, #tpu.memory_space<vmem>>, vector<1x1xf32>
    %add3A_141 = vector.broadcast %get3A_140 : vector<1x1xf32> to vector<2048x1xf32>
    %add3A_142 = arith.addf %broadcast_in_dim3A_137, %add3A_141 : vector<2048x1xf32>
    %swap3A = arith.constant 0 : index
    %swap3A_143 = arith.constant 0 : index
    %swap3A_144 = vector.load %arg17[%swap3A, %swap3A_143] : memref<2048x1xf32, #tpu.memory_space<vmem>>, vector<2048x1xf32>
    tpu.vector_store %arg17[%swap3A, %swap3A_143], %add3A_142 {strides = array<i32>} : memref<2048x1xf32, #tpu.memory_space<vmem>>, vector<2048x1xf32>,
    return
  }
  func.func @transform_0(%arg0: i32) -> (i32, i32) {
    %c0_i32 = arith.constant 0 : i32
    %c0_i32_0 = arith.constant 0 : i32
    return %arg0, %c0_i32 : i32, i32
  }
  func.func @transform_1(%arg0: i32) -> (i32, i32) {
    %c0_i32 = arith.constant 0 : i32
    %c0_i32_0 = arith.constant 0 : i32
    return %arg0, %c0_i32 : i32, i32
  }
  func.func @transform_2(%arg0: i32) -> (i32, i32) {
    %c0_i32 = arith.constant 0 : i32
    %c0_i32_0 = arith.constant 0 : i32
    return %arg0, %c0_i32 : i32, i32
  }
  func.func @transform_3(%arg0: i32) -> (i32, i32) {
    %c0_i32 = arith.constant 0 : i32
    %c0_i32_0 = arith.constant 0 : i32
    return %arg0, %c0_i32 : i32, i32
  }
  func.func @transform_4(%arg0: i32) -> (i32, i32) {
    %c0_i32 = arith.constant 0 : i32
    %c0_i32_0 = arith.constant 0 : i32
    return %arg0, %c0_i32 : i32, i32
  }
  func.func @transform_5(%arg0: i32) -> (i32, i32) {
    %c0_i32 = arith.constant 0 : i32
    %c0_i32_0 = arith.constant 0 : i32
    return %arg0, %c0_i32 : i32, i32
  }
  func.func @transform_6(%arg0: i32) -> (i32, i32) {
    %c0_i32 = arith.constant 0 : i32
    %c0_i32_0 = arith.constant 0 : i32
    %c0_i32_1 = arith.constant 0 : i32
    return %c0_i32, %c0_i32_0 : i32, i32
  }
  func.func @transform_7(%arg0: i32) -> (i32, i32) {
    %c0_i32 = arith.constant 0 : i32
    %c0_i32_0 = arith.constant 0 : i32
    %c0_i32_1 = arith.constant 0 : i32
    return %c0_i32, %c0_i32_0 : i32, i32
  }
  func.func @transform_8(%arg0: i32) -> (i32, i32) {
    %c0_i32 = arith.constant 0 : i32
    %c0_i32_0 = arith.constant 0 : i32
    %c0_i32_1 = arith.constant 0 : i32
    return %c0_i32, %c0_i32_0 : i32, i32
  }
  func.func @transform_9(%arg0: i32) -> (i32, i32) {
    %c0_i32 = arith.constant 0 : i32
    %c0_i32_0 = arith.constant 0 : i32
    %c0_i32_1 = arith.constant 0 : i32
    return %c0_i32, %c0_i32_0 : i32, i32
  }
  func.func @transform_10(%arg0: i32) -> (i32, i32) {
    %c0_i32 = arith.constant 0 : i32
    %c0_i32_0 = arith.constant 0 : i32
    %c0_i32_1 = arith.constant 0 : i32
    return %c0_i32, %c0_i32_0 : i32, i32
  }
  func.func @transform_11(%arg0: i32) -> (i32, i32) {
    %c0_i32 = arith.constant 0 : i32
    %c0_i32_0 = arith.constant 0 : i32
    %c0_i32_1 = arith.constant 0 : i32
    return %c0_i32, %c0_i32_0 : i32, i32
  }
  func.func @transform_12(%arg0: i32) -> (i32, i32) {
    %c0_i32 = arith.constant 0 : i32
    %c0_i32_0 = arith.constant 0 : i32
    %c0_i32_1 = arith.constant 0 : i32
    return %c0_i32, %c0_i32_0 : i32, i32
  }
  func.func @transform_13(%arg0: i32) -> (i32, i32) {
    %c0_i32 = arith.constant 0 : i32
    %c0_i32_0 = arith.constant 0 : i32
    %c0_i32_1 = arith.constant 0 : i32
    return %c0_i32, %c0_i32_0 : i32, i32
  }
  func.func @transform_14(%arg0: i32) -> (i32, i32) {
    %c0_i32 = arith.constant 0 : i32
    %c0_i32_0 = arith.constant 0 : i32
    %c0_i32_1 = arith.constant 0 : i32
    return %c0_i32, %c0_i32_0 : i32, i32
  }
  func.func @transform_15(%arg0: i32) -> (i32, i32) {
    %c0_i32 = arith.constant 0 : i32
    %c0_i32_0 = arith.constant 0 : i32
    %c0_i32_1 = arith.constant 0 : i32
    return %c0_i32, %c0_i32_0 : i32, i32
  }
  func.func @transform_16(%arg0: i32) -> (i32, i32) {
    %c0_i32 = arith.constant 0 : i32
    %c0_i32_0 = arith.constant 0 : i32
    return %arg0, %c0_i32 : i32, i32
  }
}

</mosaic_0001>

<sc_bundles>
// kernel: kernel.4.cloned.1.call-start
scs
__scs_entry_jumppad:
0x0: {  	(pc) =	sbr.rel $0x88, $3  }
0x1: {  	(tag) =	ssettag $0x0;
	lr =	simm.s32 $0x1  }
0x2: {  	[smem:$0x3F91] =	sst lr;
	_ =	strace $0xD0000000  }
0x3: {  	_ = 	snop  }
0x4: {  	_ = 	snop  }
0x5: {  	_ = 	snop  }
0x6: {  	_ = 	snop  }
0x7: {  	_ = 	snop  }
__scs_overlays_trampoline_lowered:
0x8: {  	[smem:$0x3FA0] =	sst s0  }
0x9: {  	[smem:$0x3FA1] =	sst s1  }
0xa: {  	[smem:$0x3FA2] =	sst s2  }
0xb: {  	[smem:$0x3FA3] =	sst s3  }
0xc: {  	[smem:$0x3FA4] =	sst s4  }
0xd: {  	[smem:$0x3FA5] =	sst s5  }
0xe: {  	[smem:$0x3FA6] =	sst s6  }
0xf: {  	[smem:$0x3FA7] =	sst s7  }
0x10: {  	[smem:$0x3FA8] =	sst s8  }
0x11: {  	[smem:$0x3FA9] =	sst s9;
	s0 =	simm.s32 @!p0 $0x0  }
0x12: {  	s1 =	sld [smem:$0x3F8F];
	s0 =	simm.s32 @p0 $0x1  }
0x13: {  	[smem:$0x3FAA] =	sst s0;
	s0 =	simm.s32 @!p1 $0x0  }
0x14: {  	s2 =	sld [smem:$0x3F8E];
	s0 =	simm.s32 @p1 $0x1  }
0x15: {  	[smem:$0x3FAB] =	sst s0;
	s0 =	simm.s32 @!p2 $0x0  }
0x16: {  	s3 =	sld [smem:$0x3FDB];
	s0 =	simm.s32 @p2 $0x1  }
0x17: {  	s4 =	simm.s32 $0x1BF5;
	[smem:$0x3FAD] =	sst s0  }
0x18: {  	s0 =	sld [smem:$0x3F90];
	_ =	swait.ge [sflag:s4], $0x0  }
0x19: {  	s7 =	sld [smem:$0x3F91]  }
0x1a: {  	s8 =	sadd.s32 $0xFFFFE003, lr  }
0x1b: {  	s9 =	sadd.s32 $0xFFFFFEF7, lr;
	s5 =	simm.s32 $0xFFFFFFFF;
	p2 =	slt.u32 s8, $0xFFFFF086  }
0x1c: {  	p1 =	slt.u32 s9, $0xF7A;
	s5 =	simm.s32 @!p2 $0x0  }
0x1d: {  	s5 =	simm.s32 @p1 $0x1;
	p0 =	seq.s32 s7, s2  }
0x1e: {  	s7 =	smul.u32 @!p0 $0xF7A, s2;
	p2 =	seq.s32 @!p0 s5, $0x0  }
0x1f: {  	s9 =	smul.u32 $0xF7A, s1;
	s8 =	simm.s32 @!p0 $0x1BF5;
	p2 =	por !p2, p0  }
0x20: {  	[sflag:s8] =	ssyncset.s32 @!p0 $0xFFFFF086;
	s6 =	sadd.s32 @!p0 s3, s7;
	s7 =	simm.s32 @!p0 $0x108  }
0x21: {  	s3 =	sadd.s32 s3, s9;
	s6 =	sadd.s32 @!p0 $0x88, s6;
	s7 =	simm.s32 @p2 $0x1082  }
0x22: {  	[simem:s7], [sflag:s8] =	dma.local @!p0 [hbm:s6], $0xF7A  }
0x23: {  	s9 =	sor.u32 $0xD0000000, s2;
	s6 =	simm.s32 $0x108;
	_ =	swait.ge @!p0 [sflag:s8], $0x0  }
0x24: {  	s3 =	sadd.s32 $0x88, s3;
	s6 =	simm.s32 @!p1 $0x1082;
	[sflag:s4] =	ssyncset.s32 $0xFFFFF086  }
0x25: {  	[simem:s6], [sflag:s4] =	dma.local [hbm:s3], $0xF7A  }
0x26: {  	[smem:$0x3F91] =	sst s1;
	(tag) =	ssettag s2;
	_ =	strace s9  }
0x27: {  	s1 =	sld [smem:$0x3FA1]  }
0x28: {  	s2 =	sld [smem:$0x3FA2]  }
0x29: {  	s4 =	sld [smem:$0x3FA4]  }
0x2a: {  	p0 =	seq.s32 s5, $0x0;
	s5 =	sld [smem:$0x3FA5]  }
0x2b: {  	s6 =	sld [smem:$0x3FA6]  }
0x2c: {  	s7 =	sld [smem:$0x3FA7]  }
0x2d: {  	s3 =	simm.s32 $0x108;
	s8 =	sld [smem:$0x3FA8]  }
0x2e: {  	s3 =	simm.s32 @!p0 $0x1082;
	s9 =	sld [smem:$0x3FA9]  }
0x2f: {  	lr =	sadd.s32 s0, s3;
	s0 =	sld [smem:$0x3FA0]  }
0x30: {  	s3 =	sld [smem:$0x3FA3]  }
0x31: {  	[smem:$0x3FAC] =	sst s10  }
0x32: {  	s10 =	sld [smem:$0x3FAA];
	_ =	sdelay $0x3  }
0x33: {  	p0 =	seq.s32 s10, $0x1;
	s10 =	sld [smem:$0x3FAC];
	_ =	sdelay $0x3  }
0x34: {  	[smem:$0x3FAC] =	sst s10  }
0x35: {  	s10 =	sld [smem:$0x3FAB];
	_ =	sdelay $0x3  }
0x36: {  	p1 =	seq.s32 s10, $0x1;
	s10 =	sld [smem:$0x3FAC];
	_ =	sdelay $0x3  }
0x37: {  	[smem:$0x3FAC] =	sst s10  }
0x38: {  	s10 =	sld [smem:$0x3FAD]  }
0x39: {  	_ = 	snop;
	(pc) =	sbr.ind lr, $3  }
0x3a: {  	_ = 	snop  }
0x3b: {  	_ = 	snop  }
0x3c: {  	p2 =	seq.s32 s10, $0x1;
	s10 =	sld [smem:$0x3FAC]  }
0x3d: {  	_ =	shalt  }
0x3e: {  	_ =	shalt  }
0x3f: {  	_ =	shalt  }
0x40: {  	_ =	shalt  }
0x41: {  	_ =	shalt  }
0x42: {  	_ =	shalt  }
0x43: {  	_ =	shalt  }
0x44: {  	_ =	shalt  }
0x45: {  	_ =	shalt  }
0x46: {  	_ =	shalt  }
0x47: {  	_ =	shalt  }
0x48: {  	_ =	shalt  }
0x49: {  	_ =	shalt  }
0x4a: {  	_ =	shalt  }
0x4b: {  	_ =	shalt  }
0x4c: {  	_ =	shalt  }
0x4d: {  	_ =	shalt  }
0x4e: {  	_ =	shalt  }
0x4f: {  	_ =	shalt  }
0x50: {  	_ =	shalt  }
0x51: {  	_ =	shalt  }
0x52: {  	_ =	shalt  }
0x53: {  	_ =	shalt  }
0x54: {  	_ =	shalt  }
0x55: {  	_ =	shalt  }
0x56: {  	_ =	shalt  }
0x57: {  	_ =	shalt  }
0x58: {  	_ =	shalt  }
0x59: {  	_ =	shalt  }
0x5a: {  	_ =	shalt  }
0x5b: {  	_ =	shalt  }
0x5c: {  	_ =	shalt  }
0x5d: {  	_ =	shalt  }
0x5e: {  	_ =	shalt  }
0x5f: {  	_ =	shalt  }
0x60: {  	_ =	shalt  }
0x61: {  	_ =	shalt  }
0x62: {  	_ =	shalt  }
0x63: {  	_ =	shalt  }
0x64: {  	_ =	shalt  }
0x65: {  	_ =	shalt  }
0x66: {  	_ =	shalt  }
0x67: {  	_ =	shalt  }
0x68: {  	_ =	shalt  }
0x69: {  	_ =	shalt  }
0x6a: {  	_ =	shalt  }
0x6b: {  	_ =	shalt  }
0x6c: {  	_ =	shalt  }
0x6d: {  	_ =	shalt  }
0x6e: {  	_ =	shalt  }
0x6f: {  	_ =	shalt  }
0x70: {  	_ =	shalt  }
0x71: {  	_ =	shalt  }
0x72: {  	_ =	shalt  }
0x73: {  	_ =	shalt  }
0x74: {  	_ =	shalt  }
0x75: {  	_ =	shalt  }
0x76: {  	_ =	shalt  }
0x77: {  	_ =	shalt  }
0x78: {  	_ =	shalt  }
0x79: {  	_ =	shalt  }
0x7a: {  	_ =	shalt  }
0x7b: {  	_ =	shalt  }
0x7c: {  	_ =	shalt  }
0x7d: {  	_ =	shalt  }
0x7e: {  	_ =	shalt  }
0x7f: {  	_ =	shalt  }
0x80: {  	_ =	shalt  }
0x81: {  	_ =	shalt  }
0x82: {  	_ =	shalt  }
0x83: {  	_ =	shalt  }
0x84: {  	_ =	shalt  }
0x85: {  	_ =	shalt  }
0x86: {  	_ =	shalt  }
0x87: {  	_ =	shalt  }
.Lfunc_end0:
.L_simem_size_0:
called_computation_lowered:
.L_overlay_start_0:
0x88: {  	s2 =	sld [smem:$0x3FD9]  }
0x89: {  	s3 =	sld [smem:$0x3FFE];
	_ =	sdelay $0x1  }
0x8a: {  	s1 =	srdreg.scid  }
0x8b: {  	s0 =	sand.u32 $0x1, s1  }
0x8c: {  	s16 =	sshll.u32 s0, $0xA;
	s2 =	sadd.s32 s3, s2  }
0x8d: {  	s2 =	sadd.s32 s2, s16  }
0x8e: {  	[smem:$0x3FB8] =	sst s2  }
0x8f: {  	_ = 	snop  }
0x90: {  	(tm) =	ssettm $0x1  }
0x91: {  	s17 =	sld [smem:$0x3FFB];
	_ =	sdelay $0x3  }
0x92: {  	_ =	strace s17  }
0x93: {  	s2 =	sld [smem:$0x3FFC];
	_ =	sdelay $0x3  }
0x94: {  	_ =	strace s2  }
0x95: {  	s2 =	sld [smem:$0x3FFD];
	_ =	sdelay $0x3  }
0x96: {  	_ =	strace s2  }
0x97: {  	_ =	strace $0x8FFFFFFF  }
0x98: {  	s18 =	sld [smem:$0x3FDB];
	_ =	sdelay $0x1  }
0x99: {  	s19 =	simm.s32 $_scs_section_size  }
0x9a: {  	s4 =	simm.s32 $_size__tile_overlayer_lowered;
	s5 =	simm.s32 $_tile_overlayer_lowered  }
0x9b: {  	s22 =	simm.s32 $0x1BFF;
	s21 =	sshll.u32 s5, $0x1;
	s2 =	sadd.s32 s19, s18  }
0x9c: {  	s6 =	simm.s32 $0x0;
	s20 =	sshll.u32 s4, $0x1;
	s4 =	sadd.s32 s21, s2  }
0x9d: {  	[timem:s6], [sflag:s22] =	dma.local [hbm:s4], s20  }
0x9e: {  	_ =	swait.ge [sflag:s22], s20  }
0x9f: {  	s3 =	ssub.s32 $0x0, s20;
	[sflag:s22] =	ssyncset.done $0x0  }
0xa0: {  	[sflag:s22] =	ssyncadd.s32 s3;
	_ =	sdelay $0x1  }
0xa1: {  	s23 =	simm.s32 $0x1B8B  }
0xa2: {  	_ =	swait.ge [sflag:s23], $0x1  }
0xa3: {  	[sflag:s23] =	ssyncset.done $0x0  }
0xa4: {  	s25 =	simm.s32 $0x1B8E;
	s24 =	sld [smem:$0x3FFE];
	[sflag:s23] =	ssyncadd.s32 $0xFFFFFFFF  }
0xa5: {  	s26 =	simm.s32 $execute0_lowered;
	[smem:$0x3FD2] =	sst s25  }
0xa6: {  	s4 =	sshll.u32 s26, $0x1;
	_ =	strace $0x80000046;
	[dreg:$0x1] =	wrdreg $0xFFFFFFFF  }
0xa7: {  	s28 =	simm.s32 $_size_execute0_lowered;
	s2 =	sadd.s32 s2, s4;
	[dreg:$0x0] =	wrdreg $0x0  }
0xa8: {  	s4 =	sshll.u32 s28, $0x1;
	[dreg:$0x2] =	wrdreg s2  }
0xa9: {  	[dreg:$0x3] =	wrdreg s4  }
0xaa: {  	[dreg:$0x4] =	wrdreg $0xC0  }
0xab: {  	_ =	task [dreg:s6], $0x5FFFF  }
0xac: {  	[dreg:$0x1] =	wrdreg $0xFFFFFFFF  }
0xad: {  	[dreg:$0x0] =	wrdreg $0x60  }
0xae: {  	[dreg:$0x2] =	wrdreg s24  }
0xaf: {  	[dreg:$0x3] =	wrdreg $0x9  }
0xb0: {  	_ =	task.clear_ibuf [dreg:s6], $0x4FFFF;
	_ =	strace $0x90000046  }
0xb1: {  	s29 =	simm.s32 $0x9;
	_ =	strace $0x80000048  }
0xb2: {  	_ =	swait.ge [sflag:s29], $0x1  }
0xb3: {  	[sflag:s29] =	ssyncadd.s32 $0xFFFFFFFF  }
0xb4: {  	_ =	strace $0x90000048  }
0xb5: {  	_ =	sfence  }
0xb6: {  	s30 =	sld [smem:$0x0];
	_ =	sdelay $0x2  }
0xb7: {  	s31 =	sshll.u32 s1, $0xD;
	s1 =	sshrl.u32 s1, $0x2  }
0xb8: {  	s3 =	sand.u32 $0x4000, s31;
	s1 =	sadd.s32 s1, s30  }
0xb9: {  	s0 =	sor.u32 s3, s0;
	s1 =	sshll.u32 s1, $0x11  }
0xba: {  	s0 =	sor.u32 s1, s0  }
0xbb: {  	s0 =	sadd.s32 $0x8F2B, s0  }
0xbc: {  	[sflag:s0] =	ssyncadd.remote.s32 $0x1  }
0xbd: {  	_ =	sfence.sel $0xFFFF  }
0xbe: {  	[dreg:$0x0] =	wrdreg $0xFFFFFFFF;
	(pc) =	sbr.abs _section_cstart, $3  }
0xbf: {  	[dreg:$0x1] =	wrdreg $0xFFFFFFFF  }
0xc0: {  	_ =	task.clear_ibuf [dreg:s6], $0x2FFFF;
	_ =	strace $0x9FFFFFFF  }
0xc1: {  	(tm) =	ssettm $0x7FFFFFFF  }
tec
execute0_lowered:
.L_overlay_start_1:
0x0: {  	(tag) =	ssettag $0x1  }
0x1: {  	s1 =	srdreg.scid  }
0x2: {  	s0 =	stileid.u32;
	s28 =	sand.u32 $0x1, s1  }
0x3: {  	s31 =	sshll.u32 s0, $0xA;
	s2 =	sshll.u32 s28, $0x9  }
0x4: {  	s17 =	sor.u32 s2, s31  }
0x5: {  	s18 =	rddreg [dreg:$0x0];
	s2 =	simm.s32 $0x0;
	s3 =	sshrl.u32 s17, $0x3  }
0x6: {  	[smem:$0x7FF] =	sst s2;
	s5 =	sadd.s32 s3, s18  }
0x7: {  	_ =	strace $0x80000047;
	s3 =	simm.s32 $0x3;
	s4 =	sadd.s32 $0x3200, s5  }
0x8: {  	[tilespmem:s2], [sflag:$0x3] =	stream.linear.gather [hbm4b:s4+s2], $0x200, $0x38;
	[tilespmem:$0x10400] =	vst v63  }
0x9: {  	_ =	swait.ge [sflag:s3], $0x200  }
0xa: {  	[sflag:s3] =	ssyncset.done $0x0  }
0xb: {  	s6 =	simm.s32 $0x200;
	s5 =	sadd.s32 $0x2A00, s5;
	[sflag:s3] =	ssyncadd.s32 $0xFFFFFE00  }
0xc: {  	[tilespmem:s6], [sflag:$0x3] =	stream.linear.gather [hbm4b:s5+s2], $0x200, $0x38;
	[tilespmem:$0x10400] =	vst v63  }
0xd: {  	_ =	swait.ge [sflag:s3], $0x200  }
0xe: {  	s8 =	simm.s32 $0x80;
	[sflag:s3] =	ssyncset.done $0x0  }
0xf: {  	s9 =	simm.s32 $0x400;
	s7 =	sadd.s32 $0xF44600, s18;
	[sflag:s3] =	ssyncadd.s32 $0xFFFFFE00  }
0x10: {  	[tilespmem:s9], [sflag:$0x1] =	stream.indirect.gather [hbm4b:s7+s8], $0x80, s2, s8, $0xb8;
	[tilespmem:$0x10400] =	vst v63  }
0x11: {  	s11 =	simm.s32 $0x8400;
	s10 =	sadd.s32 $0x1315000, s18  }
0x12: {  	[tilespmem:s11], [sflag:$0x2] =	stream.indirect.gather [hbm4b:s10+s8], $0x80, s6, s8, $0xb8;
	[tilespmem:$0x10400] =	vst v63  }
0x13: {  	s12 =	simm.s32 $0x4400  }
0x14: {  	[tilespmem:s12], [sflag:$0x1] =	stream.indirect.gather [hbm4b:s7+s8], $0x80, s8, s8, $0xb8;
	[tilespmem:$0x10400] =	vst v63  }
0x15: {  	s13 =	simm.s32 $0x280;
	s14 =	simm.s32 $0xC400;
	s15 =	simm.s32 $0x1  }
0x16: {  	[tilespmem:s14], [sflag:$0x2] =	stream.indirect.gather [hbm4b:s10+s8], $0x80, s13, s8, $0xb8;
	[tilespmem:$0x10400] =	vst v63  }
0x17: {  	_ =	swait.ge [sflag:s15], $0x4000  }
0x18: {  	[sflag:s15] =	ssyncset.done $0x0  }
0x19: {  	s16 =	simm.s32 $0x2;
	[sflag:s15] =	ssyncadd.s32 $0xFFFFC000  }
0x1a: {  	_ =	swait.ge [sflag:s16], $0x4000  }
0x1b: {  	s29 =	sadd.s32 $0x3A00, s18;
	s31 =	sshll.u32 s17, $0x4;
	[sflag:s16] =	ssyncset.done $0x0  }
0x1c: {  	s17 =	sadd.s32 s29, s31;
	[sflag:s16] =	ssyncadd.s32 $0xFFFFC000  }
0x1d: {  	[hbm4b:s17+s2] =	stream.linear.scatter [tilespmem:s9], [sflag:$0x3], $0x4000, $0x38;
	[tilespmem:$0x10400] =	vst v63  }
0x1e: {  	_ =	swait.ge [sflag:s3], $0x4000  }
0x1f: {  	s30 =	sadd.s32 $0x43A00, s18;
	[sflag:s3] =	ssyncset.done $0x0  }
0x20: {  	s18 =	sadd.s32 s30, s31;
	[sflag:s3] =	ssyncadd.s32 $0xFFFFC000  }
0x21: {  	[hbm4b:s18+s2] =	stream.linear.scatter [tilespmem:s11], [sflag:$0x3], $0x4000, $0x38;
	[tilespmem:$0x10400] =	vst v63  }
0x22: {  	_ =	swait.ge [sflag:s3], $0x4000  }
0x23: {  	[sflag:s3] =	ssyncset.done $0x0  }
0x24: {  	s19 =	simm.s32 $0x100;
	[sflag:s3] =	ssyncadd.s32 $0xFFFFC000  }
0x25: {  	[tilespmem:s9], [sflag:$0x1] =	stream.indirect.gather [hbm4b:s7+s8], $0x80, s19, s8, $0xb8;
	[tilespmem:$0x10400] =	vst v63  }
0x26: {  	s20 =	simm.s32 $0x300  }
0x27: {  	[tilespmem:s11], [sflag:$0x2] =	stream.indirect.gather [hbm4b:s10+s8], $0x80, s20, s8, $0xb8;
	[tilespmem:$0x10400] =	vst v63  }
0x28: {  	_ =	swait.ge [sflag:s15], $0x4000  }
0x29: {  	[sflag:s15] =	ssyncset.done $0x0  }
0x2a: {  	[sflag:s15] =	ssyncadd.s32 $0xFFFFC000  }
0x2b: {  	_ =	swait.ge [sflag:s16], $0x4000  }
0x2c: {  	s22 =	sor.u32 $0x800, s31;
	[sflag:s16] =	ssyncset.done $0x0  }
0x2d: {  	s21 =	sadd.s32 s29, s22;
	[sflag:s16] =	ssyncadd.s32 $0xFFFFC000  }
0x2e: {  	[hbm4b:s21+s2] =	stream.linear.scatter [tilespmem:s12], [sflag:$0x3], $0x4000, $0x38;
	[tilespmem:$0x10400] =	vst v63  }
0x2f: {  	_ =	swait.ge [sflag:s3], $0x4000  }
0x30: {  	[sflag:s3] =	ssyncset.done $0x0  }
0x31: {  	s22 =	sadd.s32 s30, s22;
	[sflag:s3] =	ssyncadd.s32 $0xFFFFC000  }
0x32: {  	[hbm4b:s22+s2] =	stream.linear.scatter [tilespmem:s14], [sflag:$0x3], $0x4000, $0x38;
	[tilespmem:$0x10400] =	vst v63  }
0x33: {  	_ =	swait.ge [sflag:s3], $0x4000  }
0x34: {  	[sflag:s3] =	ssyncset.done $0x0  }
0x35: {  	s23 =	simm.s32 $0x180;
	[sflag:s3] =	ssyncadd.s32 $0xFFFFC000  }
0x36: {  	[tilespmem:s12], [sflag:$0x1] =	stream.indirect.gather [hbm4b:s7+s8], $0x80, s23, s8, $0xb8;
	[tilespmem:$0x10400] =	vst v63  }
0x37: {  	s24 =	simm.s32 $0x380  }
0x38: {  	[tilespmem:s14], [sflag:$0x2] =	stream.indirect.gather [hbm4b:s10+s8], $0x80, s24, s8, $0xb8;
	[tilespmem:$0x10400] =	vst v63  }
0x39: {  	_ =	swait.ge [sflag:s15], $0x4000  }
0x3a: {  	[sflag:s15] =	ssyncset.done $0x0  }
0x3b: {  	[sflag:s15] =	ssyncadd.s32 $0xFFFFC000  }
0x3c: {  	_ =	swait.ge [sflag:s16], $0x4000  }
0x3d: {  	s26 =	sor.u32 $0x1000, s31;
	[sflag:s16] =	ssyncset.done $0x0  }
0x3e: {  	s25 =	sadd.s32 s29, s26;
	[sflag:s16] =	ssyncadd.s32 $0xFFFFC000  }
0x3f: {  	[hbm4b:s25+s2] =	stream.linear.scatter [tilespmem:s9], [sflag:$0x3], $0x4000, $0x38;
	[tilespmem:$0x10400] =	vst v63  }
0x40: {  	_ =	swait.ge [sflag:s3], $0x4000  }
0x41: {  	[sflag:s3] =	ssyncset.done $0x0  }
0x42: {  	s26 =	sadd.s32 s30, s26;
	[sflag:s3] =	ssyncadd.s32 $0xFFFFC000  }
0x43: {  	[hbm4b:s26+s2] =	stream.linear.scatter [tilespmem:s11], [sflag:$0x3], $0x4000, $0x38;
	[tilespmem:$0x10400] =	vst v63  }
0x44: {  	_ =	swait.ge [sflag:s3], $0x4000  }
0x45: {  	[sflag:s3] =	ssyncset.done $0x0  }
0x46: {  	[sflag:s3] =	ssyncadd.s32 $0xFFFFC000  }
0x47: {  	_ =	swait.ge [sflag:s15], $0x4000  }
0x48: {  	[sflag:s15] =	ssyncset.done $0x0  }
0x49: {  	s1 =	ssub.s32 $0x2, s28;
	s31 =	sor.u32 $0x1800, s31;
	[sflag:s15] =	ssyncadd.s32 $0xFFFFC000  }
0x4a: {  	s28 =	sadd.s32 s29, s31;
	s29 =	sshrl.u32 s1, $0x1;
	_ =	swait.ge [sflag:s16], $0x4000  }
0x4b: {  	s1 =	ssub.s32 s1, s29;
	[sflag:s16] =	ssyncset.done $0x0  }
0x4c: {  	s1 =	smax.u32 s1, $0x1;
	[sflag:s16] =	ssyncadd.s32 $0xFFFFC000  }
0x4d: {  	[hbm4b:s28+s2] =	stream.linear.scatter [tilespmem:s12], [sflag:$0x3], $0x4000, $0x38;
	[tilespmem:$0x10400] =	vst v63  }
0x4e: {  	p0 =	sne.s32 s1, $0x1;
	_ =	swait.ge [sflag:s3], $0x4000  }
.Ltmp0:
0x4f: {  	[sflag:s3] =	ssyncset.done $0x0;
	(pc) =	sbr.rel @!p0 .LBB2_2-.Ltmp0, $4  }
0x50: {  	s29 =	sadd.s32 s30, s31;
	[sflag:s3] =	ssyncadd.s32 $0xFFFFC000  }
0x51: {  	[hbm4b:s29+s2] =	stream.linear.scatter [tilespmem:s14], [sflag:$0x3], $0x4000, $0x38;
	[tilespmem:$0x10400] =	vst v63  }
0x52: {  	_ =	swait.ge [sflag:s3], $0x4000  }
0x53: {  	s30 =	sadd.s32 $0xFFFFFFFF, s1;
	[sflag:s3] =	ssyncset.done $0x0  }
.LBB2_1:
0x54: {  	p0 =	sne.s32 s30, $0x1;
	s30 =	sadd.s32 $0xFFFFFFFF, s30;
	[sflag:s3] =	ssyncadd.s32 $0xFFFFC000  }
0x55: {  	[tilespmem:s2], [sflag:$0x3] =	stream.linear.gather [hbm4b:s4+s2], $0x200, $0x38;
	[tilespmem:$0x10400] =	vst v63  }
0x56: {  	_ =	swait.ge [sflag:s3], $0x200  }
0x57: {  	[sflag:s3] =	ssyncset.done $0x0  }
0x58: {  	[sflag:s3] =	ssyncadd.s32 $0xFFFFFE00  }
0x59: {  	[tilespmem:s6], [sflag:$0x3] =	stream.linear.gather [hbm4b:s5+s2], $0x200, $0x38;
	[tilespmem:$0x10400] =	vst v63  }
0x5a: {  	_ =	swait.ge [sflag:s3], $0x200  }
0x5b: {  	[sflag:s3] =	ssyncset.done $0x0  }
0x5c: {  	[sflag:s3] =	ssyncadd.s32 $0xFFFFFE00  }
0x5d: {  	[tilespmem:s9], [sflag:$0x1] =	stream.indirect.gather [hbm4b:s7+s8], $0x80, s2, s8, $0xb8;
	[tilespmem:$0x10400] =	vst v63  }
0x5e: {  	_ = 	snop  }
0x5f: {  	[tilespmem:s11], [sflag:$0x2] =	stream.indirect.gather [hbm4b:s10+s8], $0x80, s6, s8, $0xb8;
	[tilespmem:$0x10400] =	vst v63  }
0x60: {  	_ = 	snop  }
0x61: {  	[tilespmem:s12], [sflag:$0x1] =	stream.indirect.gather [hbm4b:s7+s8], $0x80, s8, s8, $0xb8;
	[tilespmem:$0x10400] =	vst v63  }
0x62: {  	_ = 	snop  }
0x63: {  	[tilespmem:s14], [sflag:$0x2] =	stream.indirect.gather [hbm4b:s10+s8], $0x80, s13, s8, $0xb8;
	[tilespmem:$0x10400] =	vst v63  }
0x64: {  	_ =	swait.ge [sflag:s15], $0x4000  }
0x65: {  	[sflag:s15] =	ssyncset.done $0x0  }
0x66: {  	[sflag:s15] =	ssyncadd.s32 $0xFFFFC000  }
0x67: {  	_ =	swait.ge [sflag:s16], $0x4000  }
0x68: {  	[sflag:s16] =	ssyncset.done $0x0  }
0x69: {  	[sflag:s16] =	ssyncadd.s32 $0xFFFFC000  }
0x6a: {  	[hbm4b:s17+s2] =	stream.linear.scatter [tilespmem:s9], [sflag:$0x3], $0x4000, $0x38;
	[tilespmem:$0x10400] =	vst v63  }
0x6b: {  	_ =	swait.ge [sflag:s3], $0x4000  }
0x6c: {  	[sflag:s3] =	ssyncset.done $0x0  }
0x6d: {  	[sflag:s3] =	ssyncadd.s32 $0xFFFFC000  }
0x6e: {  	[hbm4b:s18+s2] =	stream.linear.scatter [tilespmem:s11], [sflag:$0x3], $0x4000, $0x38;
	[tilespmem:$0x10400] =	vst v63  }
0x6f: {  	_ =	swait.ge [sflag:s3], $0x4000  }
0x70: {  	[sflag:s3] =	ssyncset.done $0x0  }
0x71: {  	[sflag:s3] =	ssyncadd.s32 $0xFFFFC000  }
0x72: {  	[tilespmem:s9], [sflag:$0x1] =	stream.indirect.gather [hbm4b:s7+s8], $0x80, s19, s8, $0xb8;
	[tilespmem:$0x10400] =	vst v63  }
0x73: {  	_ = 	snop  }
0x74: {  	[tilespmem:s11], [sflag:$0x2] =	stream.indirect.gather [hbm4b:s10+s8], $0x80, s20, s8, $0xb8;
	[tilespmem:$0x10400] =	vst v63  }
0x75: {  	_ =	swait.ge [sflag:s15], $0x4000  }
0x76: {  	[sflag:s15] =	ssyncset.done $0x0  }
0x77: {  	[sflag:s15] =	ssyncadd.s32 $0xFFFFC000  }
0x78: {  	_ =	swait.ge [sflag:s16], $0x4000  }
0x79: {  	[sflag:s16] =	ssyncset.done $0x0  }
0x7a: {  	[sflag:s16] =	ssyncadd.s32 $0xFFFFC000  }
0x7b: {  	[hbm4b:s21+s2] =	stream.linear.scatter [tilespmem:s12], [sflag:$0x3], $0x4000, $0x38;
	[tilespmem:$0x10400] =	vst v63  }
0x7c: {  	_ =	swait.ge [sflag:s3], $0x4000  }
0x7d: {  	[sflag:s3] =	ssyncset.done $0x0  }
0x7e: {  	[sflag:s3] =	ssyncadd.s32 $0xFFFFC000  }
0x7f: {  	[hbm4b:s22+s2] =	stream.linear.scatter [tilespmem:s14], [sflag:$0x3], $0x4000, $0x38;
	[tilespmem:$0x10400] =	vst v63  }
0x80: {  	_ =	swait.ge [sflag:s3], $0x4000  }
0x81: {  	[sflag:s3] =	ssyncset.done $0x0  }
0x82: {  	[sflag:s3] =	ssyncadd.s32 $0xFFFFC000  }
0x83: {  	[tilespmem:s12], [sflag:$0x1] =	stream.indirect.gather [hbm4b:s7+s8], $0x80, s23, s8, $0xb8;
	[tilespmem:$0x10400] =	vst v63  }
0x84: {  	_ = 	snop  }
0x85: {  	[tilespmem:s14], [sflag:$0x2] =	stream.indirect.gather [hbm4b:s10+s8], $0x80, s24, s8, $0xb8;
	[tilespmem:$0x10400] =	vst v63  }
0x86: {  	_ =	swait.ge [sflag:s15], $0x4000  }
0x87: {  	[sflag:s15] =	ssyncset.done $0x0  }
0x88: {  	[sflag:s15] =	ssyncadd.s32 $0xFFFFC000  }
0x89: {  	_ =	swait.ge [sflag:s16], $0x4000  }
0x8a: {  	[sflag:s16] =	ssyncset.done $0x0  }
0x8b: {  	[sflag:s16] =	ssyncadd.s32 $0xFFFFC000  }
0x8c: {  	[hbm4b:s25+s2] =	stream.linear.scatter [tilespmem:s9], [sflag:$0x3], $0x4000, $0x38;
	[tilespmem:$0x10400] =	vst v63  }
0x8d: {  	_ =	swait.ge [sflag:s3], $0x4000  }
0x8e: {  	[sflag:s3] =	ssyncset.done $0x0  }
0x8f: {  	[sflag:s3] =	ssyncadd.s32 $0xFFFFC000  }
0x90: {  	[hbm4b:s26+s2] =	stream.linear.scatter [tilespmem:s11], [sflag:$0x3], $0x4000, $0x38;
	[tilespmem:$0x10400] =	vst v63  }
0x91: {  	_ =	swait.ge [sflag:s3], $0x4000  }
0x92: {  	[sflag:s3] =	ssyncset.done $0x0  }
0x93: {  	[sflag:s3] =	ssyncadd.s32 $0xFFFFC000  }
0x94: {  	_ =	swait.ge [sflag:s15], $0x4000  }
0x95: {  	[sflag:s15] =	ssyncset.done $0x0  }
0x96: {  	[sflag:s15] =	ssyncadd.s32 $0xFFFFC000  }
0x97: {  	_ =	swait.ge [sflag:s16], $0x4000  }
0x98: {  	[sflag:s16] =	ssyncset.done $0x0  }
0x99: {  	[sflag:s16] =	ssyncadd.s32 $0xFFFFC000  }
0x9a: {  	[hbm4b:s28+s2] =	stream.linear.scatter [tilespmem:s12], [sflag:$0x3], $0x4000, $0x38;
	[tilespmem:$0x10400] =	vst v63  }
0x9b: {  	_ =	swait.ge [sflag:s3], $0x4000  }
.Ltmp1:
0x9c: {  	[sflag:s3] =	ssyncset.done $0x0;
	(pc) =	sbr.rel @p0 .LBB2_1-.Ltmp1, $4  }
0x9d: {  	[sflag:s3] =	ssyncadd.s32 $0xFFFFC000  }
0x9e: {  	[hbm4b:s29+s2] =	stream.linear.scatter [tilespmem:s14], [sflag:$0x3], $0x4000, $0x38;
	[tilespmem:$0x10400] =	vst v63  }
0x9f: {  	_ =	swait.ge [sflag:s3], $0x4000  }
0xa0: {  	[sflag:s3] =	ssyncset.done $0x0  }
.LBB2_2:
0xa1: {  	[sflag:s3] =	ssyncadd.s32 $0xFFFFC000  }
0xa2: {  	_ =	sfence.sel $0x180000  }
0xa3: {  	[bflag:$0x0] =	sbarrier.arrive $0xFFFF  }
0xa4: {  	_ =	strace $0x90000047  }
0xa5: {  	[bflag:$0x2] =	sbarrier.arrive $0xFFFF  }
0xa6: {  	p0 =	sne.s32 s0, $0x0;
	s0 =	rddreg [dreg:$0x1]  }
0xa7: {  	s0 =	sadd.s32 @!p0 $0x100000, s0  }
0xa8: {  	[sflag:s0] =	ssyncadd.tile.s32 @!p0 $0x1;
	_ =	shalt  }
.Lfunc_end2:
_tile_overlayer_lowered:
.L_overlay_start_2:
0xa9: {  	(tag) =	ssettag $0x2  }
0xaa: {  	s0 =	rddreg [dreg:$0x0];
	s2 =	stileid.u32  }
0xab: {  	s1 =	rddreg [dreg:$0x1];
	p0 =	sne.s32 s2, $0x0  }
0xac: {  	s3 =	rddreg [dreg:$0x2];
	[bflag:$0x3] =	sbarrier.arrive $0xFFFF;
	s2 =	simm.s32 @!p0 $0x1C03  }
0xad: {  	[timem:s3], [sflag:s2] =	dma.local @!p0 [hbm:s0], s1  }
0xae: {  	s0 =	simm.s32 @!p0 $0x3  }
0xaf: {  	_ =	swait.ge @!p0 [sflag:s0], s1  }
0xb0: {  	s1 =	ssub.s32 @!p0 $0x0, s1;
	[sflag:s0] =	ssyncset.done @!p0 $0x0  }
0xb1: {  	[sflag:s0] =	ssyncadd.s32 @!p0 s1  }
0xb2: {  	[bflag:$0x3] =	sbarrier.arrive $0xFFFF  }
0xb3: {  	_ =	shalt  }

</sc_bundles>
